<compile_context>
chip_gen: v7x
topology: tpu7x:2x2x1
jax: 0.10.2.dev20260603
libtpu: 0.0.44.dev20260713+nightly
codegen_flags: <defaults>
</compile_context>

<pallas_src>
import jax
import jax.numpy as jnp
from jax import lax
from jax.experimental import pallas as pl
from jax.experimental.pallas import tpu as pltpu
from jax.experimental.pallas import tpu_sc as plsc

_N = 10000
_D = 128
_E = 320000
_NC = 2
_NS = 16
_NW = _NC * _NS
_EPW = _E // _NW
_CHUNK = 40
_NCHUNK = _EPW // _CHUNK
_ZR = 40
_NZCH = _N // _ZR
_CPT = (_NZCH + _NS - 1) // _NS
_DCH = 80

_mesh = plsc.VectorSubcoreMesh(core_axis_name="c", subcore_axis_name="s")


def _idx_start(src_h, dst_h, j, sidx, didx, sem):
    e = pl.ds(j * _CHUNK, _CHUNK)
    pltpu.async_copy(src_h.at[e], sidx, sem)
    pltpu.async_copy(dst_h.at[e], didx, sem)


def _idx_wait(src_h, dst_h, j, sidx, didx, sem):
    e = pl.ds(j * _CHUNK, _CHUNK)
    pltpu.make_async_copy(src_h.at[e], sidx, sem).wait()
    pltpu.make_async_copy(dst_h.at[e], didx, sem).wait()


_DZR = 80
_DNZ = _N // _DZR
_DCPT = (_DNZ + _NS - 1) // _NS


def _deg_body(src_h, dst_h, outdeg, indeg, ones_v, zb, sidx, didx,
              acc_o, acc_i):
    c = lax.axis_index("c")
    s = lax.axis_index("s")
    base = (c * _NS + s) * _EPW

    @pl.loop(0, _DCH)
    def _(r):
        ones_v[r, :] = jnp.ones((16,), jnp.float32)

    @pl.loop(0, _DZR)
    def _(r):
        zb[r, :] = jnp.zeros((16,), jnp.float32)

    @pl.loop(0, _DCPT)
    def _(i):
        k = s + i * _NS

        @pl.when(k < _DNZ)
        def _():
            rows = pl.ds(pl.multiple_of(k * _DZR, 8), _DZR)
            pltpu.sync_copy(zb, acc_o.at[rows])
            pltpu.sync_copy(zb, acc_i.at[rows])

    plsc.subcore_barrier()

    @pl.loop(0, _EPW // _DCH)
    def _(j):
        e = pl.ds(base + j * _DCH, _DCH)
        pltpu.sync_copy(src_h.at[e], sidx)
        pltpu.sync_copy(dst_h.at[e], didx)
        pltpu.sync_copy(ones_v, acc_o.at[sidx], add=True)
        pltpu.sync_copy(ones_v, acc_i.at[didx], add=True)

    plsc.subcore_barrier()

    @pl.loop(0, _DCPT)
    def _(i):
        k = s + i * _NS

        @pl.when(k < _DNZ)
        def _():
            rows = pl.ds(pl.multiple_of(k * _DZR, 8), _DZR)
            pltpu.sync_copy(acc_o.at[rows], zb)
            pltpu.sync_copy(zb, outdeg.at[c, rows])
            pltpu.sync_copy(acc_i.at[rows], zb)
            pltpu.sync_copy(zb, indeg.at[c, rows])


_sc_deg = pl.kernel(
    _deg_body,
    out_type=[
        jax.ShapeDtypeStruct((_NC, _N, 16), jnp.float32),
        jax.ShapeDtypeStruct((_NC, _N, 16), jnp.float32),
    ],
    mesh=_mesh,
    scratch_types=[
        pltpu.VMEM((_DCH, 16), jnp.float32),
        pltpu.VMEM((_DZR, 16), jnp.float32),
        pltpu.VMEM((_DCH,), jnp.int32),
        pltpu.VMEM((_DCH,), jnp.int32),
        pltpu.VMEM_SHARED((_N, 16), jnp.float32),
        pltpu.VMEM_SHARED((_N, 16), jnp.float32),
    ],
)


def _agg_body(xs, src_h, dst_h, part,
              sidx0, didx0, sidx1, didx1, buf0, buf1, acc,
              isem0, isem1, gsem0, gsem1):
    c = lax.axis_index("c")
    s = lax.axis_index("s")
    w = c * _NS + s
    base = w * _NCHUNK

    @pl.loop(0, _ZR)
    def _(r):
        @pl.loop(0, _D, step=16)
        def _(q):
            buf0[r, pl.ds(q, 16)] = jnp.zeros((16,), jnp.float32)

    @pl.loop(0, _CPT)
    def _(i):
        k = s + i * _NS

        @pl.when(k < _NZCH)
        def _():
            pltpu.sync_copy(buf0, acc.at[pl.ds(pl.multiple_of(k * _ZR, 8), _ZR)])

    _idx_start(src_h, dst_h, base, sidx0, didx0, isem0)
    _idx_start(src_h, dst_h, base + 1, sidx1, didx1, isem1)

    plsc.subcore_barrier()

    def gat_start(sidx, buf, sem):
        pltpu.async_copy(xs.at[sidx], buf, sem)

    def gat_wait(sidx, buf, sem):
        pltpu.make_async_copy(xs.at[sidx], buf, sem).wait()

    _idx_wait(src_h, dst_h, base, sidx0, didx0, isem0)
    gat_start(sidx0, buf0, gsem0)

    def half(j, sidx, didx, buf, isem, gsem, sidx_n, didx_n, buf_n, isem_n, gsem_n):
        gat_wait(sidx, buf, gsem)
        pltpu.sync_copy(buf, acc.at[didx], add=True)

        @pl.when(j + 2 < _NCHUNK)
        def _():
            _idx_start(src_h, dst_h, base + j + 2, sidx, didx, isem)

        @pl.when(j + 1 < _NCHUNK)
        def _():
            _idx_wait(src_h, dst_h, base + j + 1, sidx_n, didx_n, isem_n)
            gat_start(sidx_n, buf_n, gsem_n)

    @pl.loop(0, _NCHUNK // 2)
    def _(k):
        half(k * 2, sidx0, didx0, buf0, isem0, gsem0,
             sidx1, didx1, buf1, isem1, gsem1)
        half(k * 2 + 1, sidx1, didx1, buf1, isem1, gsem1,
             sidx0, didx0, buf0, isem0, gsem0)

    plsc.subcore_barrier()

    @pl.loop(0, _CPT)
    def _(i):
        k = s + i * _NS

        @pl.when(k < _NZCH)
        def _():
            rows = pl.ds(pl.multiple_of(k * _ZR, 8), _ZR)
            pltpu.sync_copy(acc.at[rows], buf0)
            pltpu.sync_copy(buf0, part.at[c, rows])


_sc_agg = pl.kernel(
    _agg_body,
    out_type=jax.ShapeDtypeStruct((_NC, _N, _D), jnp.float32),
    mesh=_mesh,
    scratch_types=[
        pltpu.VMEM((_CHUNK,), jnp.int32),
        pltpu.VMEM((_CHUNK,), jnp.int32),
        pltpu.VMEM((_CHUNK,), jnp.int32),
        pltpu.VMEM((_CHUNK,), jnp.int32),
        pltpu.VMEM((_CHUNK, _D), jnp.float32),
        pltpu.VMEM((_CHUNK, _D), jnp.float32),
        pltpu.VMEM_SHARED((_N, _D), jnp.float32),
        pltpu.SemaphoreType.DMA,
        pltpu.SemaphoreType.DMA,
        pltpu.SemaphoreType.DMA,
        pltpu.SemaphoreType.DMA,
    ],
)

_ROWS = 1000


def _mm_body(x_ref, w_ref, o_ref):
    o_ref[...] = jnp.dot(x_ref[...], w_ref[...], preferred_element_type=jnp.float32)


def _tc_matmul(x, W):
    return pl.pallas_call(
        _mm_body,
        grid=(_N // _ROWS,),
        in_specs=[
            pl.BlockSpec((_ROWS, _D), lambda i: (i, 0)),
            pl.BlockSpec((_D, _D), lambda i: (0, 0)),
        ],
        out_specs=pl.BlockSpec((_ROWS, _D), lambda i: (i, 0)),
        out_shape=jax.ShapeDtypeStruct((_N, _D), jnp.float32),
    )(x, W)


def _norm_from(pd_ref):
    deg = pd_ref[0] + pd_ref[1]
    return lax.rsqrt(jnp.clip(deg, 1.0, None))[:, 0:1]


def _scale_body(x_ref, pdo_ref, o_ref):
    o_ref[...] = x_ref[...] * _norm_from(pdo_ref)


def _tc_scale(x, pdo):
    return pl.pallas_call(
        _scale_body,
        grid=(_N // _ROWS,),
        in_specs=[
            pl.BlockSpec((_ROWS, _D), lambda i: (i, 0)),
            pl.BlockSpec((_NC, _ROWS, 16), lambda i: (0, i, 0)),
        ],
        out_specs=pl.BlockSpec((_ROWS, _D), lambda i: (i, 0)),
        out_shape=jax.ShapeDtypeStruct((_N, _D), jnp.float32),
    )(x, pdo)


def _layer2_body(p_ref, pdi_ref, pdo_ref, b1_ref, w_ref, o_ref):
    nd = _norm_from(pdi_ref)
    ns = _norm_from(pdo_ref)
    agg = p_ref[0] + p_ref[1]
    h = jnp.maximum(agg * nd + b1_ref[...], 0.0)
    o_ref[...] = jnp.dot(h, w_ref[...], preferred_element_type=jnp.float32) * ns


def _tc_layer2(part, pdi, pdo, b1, W2):
    return pl.pallas_call(
        _layer2_body,
        grid=(_N // _ROWS,),
        in_specs=[
            pl.BlockSpec((_NC, _ROWS, _D), lambda i: (0, i, 0)),
            pl.BlockSpec((_NC, _ROWS, 16), lambda i: (0, i, 0)),
            pl.BlockSpec((_NC, _ROWS, 16), lambda i: (0, i, 0)),
            pl.BlockSpec((1, _D), lambda i: (0, 0)),
            pl.BlockSpec((_D, _D), lambda i: (0, 0)),
        ],
        out_specs=pl.BlockSpec((_ROWS, _D), lambda i: (i, 0)),
        out_shape=jax.ShapeDtypeStruct((_N, _D), jnp.float32),
    )(part, pdi, pdo, b1, W2)


def _final_body(p_ref, pdi_ref, b2_ref, o_ref):
    nd = _norm_from(pdi_ref)
    o_ref[...] = (p_ref[0] + p_ref[1]) * nd + b2_ref[...]


def _tc_final(part, pdi, b2):
    return pl.pallas_call(
        _final_body,
        grid=(_N // _ROWS,),
        in_specs=[
            pl.BlockSpec((_NC, _ROWS, _D), lambda i: (0, i, 0)),
            pl.BlockSpec((_NC, _ROWS, 16), lambda i: (0, i, 0)),
            pl.BlockSpec((1, _D), lambda i: (0, 0)),
        ],
        out_specs=pl.BlockSpec((_ROWS, _D), lambda i: (i, 0)),
        out_shape=jax.ShapeDtypeStruct((_N, _D), jnp.float32),
    )(part, pdi, b2)


def kernel(features, edge_index, W1, b1, W2, b2):
    src = edge_index[0].astype(jnp.int32)
    dst = edge_index[1].astype(jnp.int32)
    pdo, pdi = _sc_deg(src, dst)
    xw1 = _tc_matmul(features, W1)
    xs1 = _tc_scale(xw1, pdo)
    part1 = _sc_agg(xs1, src, dst)
    xs2 = _tc_layer2(part1, pdi, pdo, b1.reshape(1, _D), W2)
    part2 = _sc_agg(xs2, src, dst)
    out = _tc_final(part2, pdi, b2.reshape(1, _D))
    return out

# --- scband reference (transcript-rebuilt; emitter-appended) ---
"""Pipeline reference for scband-gcnmodel-67611375174130 (READ-ONLY COPY).

The authoritative reference and input builder live on the scoring server;
editing this copy changes nothing except your own understanding.
"""

import jax, jax.numpy as jnp
import numpy as np

N = 10000
E = 320000
D = 128
H = 128


def setup_inputs(seed: int = 0) -> dict:
    key = jax.random.key(seed)
    k1, k2, k3, k4, k5, k6 = jax.random.split(key, 6)
    features = jax.random.normal(k1, (N, D), dtype=jnp.float32)
    edge_index = jax.random.randint(k2, (2, E), 0, N)
    scale1 = 1.0 / np.sqrt(D)
    scale2 = 1.0 / np.sqrt(H)
    W1 = jax.random.normal(k3, (D, H), dtype=jnp.float32) * scale1
    b1 = jnp.zeros((H,), dtype=jnp.float32)
    W2 = jax.random.normal(k4, (H, H), dtype=jnp.float32) * scale2
    b2 = jnp.zeros((H,), dtype=jnp.float32)
    return {"features": features, "edge_index": edge_index, "W1": W1, "b1": b1, "W2": W2, "b2": b2}


def _gcn_layer(x, W, b, src, dst):
    # DGL GraphConv with norm='both': h = D_in^{-1/2} A D_out^{-1/2} X W + b
    n = x.shape[0]
    ones = jnp.ones((src.shape[0],), dtype=x.dtype)
    out_deg = jnp.zeros((n,), dtype=x.dtype).at[src].add(ones)
    in_deg = jnp.zeros((n,), dtype=x.dtype).at[dst].add(ones)
    norm_src = jax.lax.rsqrt(jnp.clip(out_deg, 1.0, None))
    norm_dst = jax.lax.rsqrt(jnp.clip(in_deg, 1.0, None))
    xw = x @ W
    msg = jnp.take(xw, src, axis=0) * jnp.take(norm_src, src)[:, None]
    agg = jnp.zeros((n, W.shape[1]), dtype=x.dtype).at[dst].add(msg)
    return agg * norm_dst[:, None] + b


def reference(features, edge_index, W1, b1, W2, b2):
    src = edge_index[0]
    dst = edge_index[1]
    h = jax.nn.relu(_gcn_layer(features, W1, b1, src, dst))
    h = _gcn_layer(h, W2, b2, src, dst)
    return h

if __name__ == "__main__":
    import jax
    _d = setup_inputs()
    print(jax.jit(kernel)(*tuple(_d.values())))

</pallas_src>

<mosaic_0001>
#map = affine_map<(d0, d1) -> (0)>
#map1 = affine_map<(d0, d1) -> (0, 0, 0)>
module attributes {stable_mosaic.version = 14 : i64} {
  func.func @_deg_body(%arg0: i32, %arg1: i32, %arg2: memref<320000xi32, #tpu.memory_space<hbm>>, %arg3: memref<320000xi32, #tpu.memory_space<hbm>>, %arg4: memref<2x10000x16xf32, #tpu.memory_space<hbm>>, %arg5: memref<2x10000x16xf32, #tpu.memory_space<hbm>>, %arg6: memref<80x16xf32, #tpu.memory_space<vmem>>, %arg7: memref<80x16xf32, #tpu.memory_space<vmem>>, %arg8: memref<80xi32, #tpu.memory_space<vmem>>, %arg9: memref<80xi32, #tpu.memory_space<vmem>>, %arg10: memref<10000x16xf32, #tpu.memory_space<vmem_shared>>, %arg11: memref<10000x16xf32, #tpu.memory_space<vmem_shared>>) attributes {dimension_semantics = [#tpu.dimension_semantics<core_parallel>, #tpu.dimension_semantics<subcore_parallel>], iteration_bounds = array<i64: 2, 16>, scalar_prefetch = 0 : i64, scratch_operands = 6 : i64, tpu.core_type = #tpu.core_type<sc_vector_subcore>, window_params = [{transform_indices = #map}, {transform_indices = #map}, {transform_indices = #map1}, {transform_indices = #map1}]} {
    %mul3A = arith.constant 16 : i32
    %mul3A_0 = arith.muli %arg0, %mul3A : i32
    %add3A = arith.addi %mul3A_0, %arg1 : i32
    %mul3A_1 = arith.constant 10000 : i32
    %mul3A_2 = arith.muli %add3A, %mul3A_1 : i32
    %scan3A = arith.constant 0 : i32
    %scan3A_3 = arith.constant 80 : i32
    %scan3A_4 = arith.addi %scan3A, %scan3A_3 : i32
    %scan3A_5 = arith.constant 1 : i32
    scf.for %scan3A_28 = %scan3A to %scan3A_4 step %scan3A_5  : i32 {
      %mul3A_29 = arith.constant 1 : i32
      %mul3A_30 = arith.muli %scan3A_28, %mul3A_29 : i32
      %add3A_31 = arith.constant 0 : i32
      %add3A_32 = arith.addi %add3A_31, %mul3A_30 : i32
      %broadcast_in_dim3A = arith.constant 1.000000e+00 : f32
      %broadcast_in_dim3A_33 = vector.broadcast %broadcast_in_dim3A : f32 to vector<16xf32>
      %swap3A = arith.index_cast %add3A_32 : i32 to index
      %swap3A_34 = arith.constant 0 : index
      %swap3A_35 = tpu.vector_load %arg6[%swap3A, %swap3A_34] {strides = array<i32>} : memref<80x16xf32, #tpu.memory_space<vmem>>, vector<1x16xf32>,
      %swap3A_36 = vector.shape_cast %swap3A_35 : vector<1x16xf32> to vector<16xf32>
      %swap3A_37 = vector.shape_cast %broadcast_in_dim3A_33 : vector<16xf32> to vector<1x16xf32>
      tpu.vector_store %arg6[%swap3A, %swap3A_34], %swap3A_37 {strides = array<i32>} : memref<80x16xf32, #tpu.memory_space<vmem>>, vector<1x16xf32>,
    }
    %scan3A_6 = arith.constant 80 : i32
    %scan3A_7 = arith.constant 0 : i32
    %scan3A_8 = arith.constant 80 : i32
    %scan3A_9 = arith.addi %scan3A_7, %scan3A_8 : i32
    %scan3A_10 = arith.constant 1 : i32
    scf.for %scan3A_28 = %scan3A_7 to %scan3A_9 step %scan3A_10  : i32 {
      %mul3A_29 = arith.constant 1 : i32
      %mul3A_30 = arith.muli %scan3A_28, %mul3A_29 : i32
      %add3A_31 = arith.constant 0 : i32
      %add3A_32 = arith.addi %add3A_31, %mul3A_30 : i32
      %broadcast_in_dim3A = arith.constant 0.000000e+00 : f32
      %broadcast_in_dim3A_33 = vector.broadcast %broadcast_in_dim3A : f32 to vector<16xf32>
      %swap3A = arith.index_cast %add3A_32 : i32 to index
      %swap3A_34 = arith.constant 0 : index
      %swap3A_35 = tpu.vector_load %arg7[%swap3A, %swap3A_34] {strides = array<i32>} : memref<80x16xf32, #tpu.memory_space<vmem>>, vector<1x16xf32>,
      %swap3A_36 = vector.shape_cast %swap3A_35 : vector<1x16xf32> to vector<16xf32>
      %swap3A_37 = vector.shape_cast %broadcast_in_dim3A_33 : vector<16xf32> to vector<1x16xf32>
      tpu.vector_store %arg7[%swap3A, %swap3A_34], %swap3A_37 {strides = array<i32>} : memref<80x16xf32, #tpu.memory_space<vmem>>, vector<1x16xf32>,
    }
    %scan3A_11 = arith.constant 80 : i32
    %scan3A_12 = arith.constant 0 : i32
    %scan3A_13 = arith.constant 8 : i32
    %scan3A_14 = arith.addi %scan3A_12, %scan3A_13 : i32
    %scan3A_15 = arith.constant 1 : i32
    scf.for %scan3A_28 = %scan3A_12 to %scan3A_14 step %scan3A_15  : i32 {
      %mul3A_29 = arith.constant 1 : i32
      %mul3A_30 = arith.muli %scan3A_28, %mul3A_29 : i32
      %add3A_31 = arith.constant 0 : i32
      %add3A_32 = arith.addi %add3A_31, %mul3A_30 : i32
      %mul3A_33 = arith.constant 16 : i32
      %mul3A_34 = arith.muli %add3A_32, %mul3A_33 : i32
      %add3A_35 = arith.addi %arg1, %mul3A_34 : i32
      %lt3A = arith.constant 125 : i32
      %lt3A_36 = arith.cmpi slt, %add3A_35, %lt3A : i32
      %convert_element_type3A = arith.extui %lt3A_36 : i1 to i32
      %cond3A = arith.constant 0 : i32
      %cond3A_37 = arith.cmpi ne, %convert_element_type3A, %cond3A : i32
      scf.if %cond3A_37 {
        %mul3A_38 = arith.constant 80 : i32
        %mul3A_39 = arith.muli %add3A_35, %mul3A_38 : i32
        %multiple_of3A = tpu.assume_multiple %mul3A_39, 8 : i32
        "tpu.region"() ({
          %run_scoped3A = tpu.sem_alloc : memref<!tpu.dma_semaphore, #tpu.memory_space<semaphore_mem>>
          %dma_start3A = arith.constant 0 : i32
          %dma_start3A_40 = tpu.memref_slice %arg10[%multiple_of3A, %dma_start3A] : memref<10000x16xf32, #tpu.memory_space<vmem_shared>> -> memref<80x16xf32, #tpu.memory_space<vmem_shared>>
          %dma_start3A_41 = arith.constant 0 : i32
          %dma_start3A_42 = tpu.memref_slice %arg10[%multiple_of3A, %dma_start3A_41] : memref<10000x16xf32, #tpu.memory_space<vmem_shared>> -> memref<80x16xf32, #tpu.memory_space<vmem_shared>>
          tpu.enqueue_dma source(%arg7 : memref<80x16xf32, #tpu.memory_space<vmem>>) target(%dma_start3A_42 : memref<80x16xf32, #tpu.memory_space<vmem_shared>>) target_semaphore(%run_scoped3A : memref<!tpu.dma_semaphore, #tpu.memory_space<semaphore_mem>>)
          %dma_wait3A = arith.constant 0 : i32
          %dma_wait3A_43 = tpu.memref_slice %arg10[%multiple_of3A, %dma_wait3A] : memref<10000x16xf32, #tpu.memory_space<vmem_shared>> -> memref<80x16xf32, #tpu.memory_space<vmem_shared>>
          %dma_wait3A_44 = arith.constant 0 : i32
          %dma_wait3A_45 = tpu.memref_slice %arg10[%multiple_of3A, %dma_wait3A_44] : memref<10000x16xf32, #tpu.memory_space<vmem_shared>> -> memref<80x16xf32, #tpu.memory_space<vmem_shared>>
          tpu.wait_dma2 semaphore(%run_scoped3A : memref<!tpu.dma_semaphore, #tpu.memory_space<semaphore_mem>>) src(%arg7 : memref<80x16xf32, #tpu.memory_space<vmem>>) dst(%dma_wait3A_45 : memref<80x16xf32, #tpu.memory_space<vmem_shared>>)
          tpu.yield
        }) : () -> ()
        "tpu.region"() ({
          %run_scoped3A = tpu.sem_alloc : memref<!tpu.dma_semaphore, #tpu.memory_space<semaphore_mem>>
          %dma_start3A = arith.constant 0 : i32
          %dma_start3A_40 = tpu.memref_slice %arg11[%multiple_of3A, %dma_start3A] : memref<10000x16xf32, #tpu.memory_space<vmem_shared>> -> memref<80x16xf32, #tpu.memory_space<vmem_shared>>
          %dma_start3A_41 = arith.constant 0 : i32
          %dma_start3A_42 = tpu.memref_slice %arg11[%multiple_of3A, %dma_start3A_41] : memref<10000x16xf32, #tpu.memory_space<vmem_shared>> -> memref<80x16xf32, #tpu.memory_space<vmem_shared>>
          tpu.enqueue_dma source(%arg7 : memref<80x16xf32, #tpu.memory_space<vmem>>) target(%dma_start3A_42 : memref<80x16xf32, #tpu.memory_space<vmem_shared>>) target_semaphore(%run_scoped3A : memref<!tpu.dma_semaphore, #tpu.memory_space<semaphore_mem>>)
          %dma_wait3A = arith.constant 0 : i32
          %dma_wait3A_43 = tpu.memref_slice %arg11[%multiple_of3A, %dma_wait3A] : memref<10000x16xf32, #tpu.memory_space<vmem_shared>> -> memref<80x16xf32, #tpu.memory_space<vmem_shared>>
          %dma_wait3A_44 = arith.constant 0 : i32
          %dma_wait3A_45 = tpu.memref_slice %arg11[%multiple_of3A, %dma_wait3A_44] : memref<10000x16xf32, #tpu.memory_space<vmem_shared>> -> memref<80x16xf32, #tpu.memory_space<vmem_shared>>
          tpu.wait_dma2 semaphore(%run_scoped3A : memref<!tpu.dma_semaphore, #tpu.memory_space<semaphore_mem>>) src(%arg7 : memref<80x16xf32, #tpu.memory_space<vmem>>) dst(%dma_wait3A_45 : memref<80x16xf32, #tpu.memory_space<vmem_shared>>)
          tpu.yield
        }) : () -> ()
      } else {
      }
    }
    %scan3A_16 = arith.constant 8 : i32
    %barrier3A = arith.constant 0 : index
    tpu.barrier barrier_id(%barrier3A)
    %scan3A_17 = arith.constant 0 : i32
    %scan3A_18 = arith.constant 125 : i32
    %scan3A_19 = arith.addi %scan3A_17, %scan3A_18 : i32
    %scan3A_20 = arith.constant 1 : i32
    scf.for %scan3A_28 = %scan3A_17 to %scan3A_19 step %scan3A_20  : i32 {
      %mul3A_29 = arith.constant 1 : i32
      %mul3A_30 = arith.muli %scan3A_28, %mul3A_29 : i32
      %add3A_31 = arith.constant 0 : i32
      %add3A_32 = arith.addi %add3A_31, %mul3A_30 : i32
      %mul3A_33 = arith.constant 80 : i32
      %mul3A_34 = arith.muli %add3A_32, %mul3A_33 : i32
      %add3A_35 = arith.addi %mul3A_2, %mul3A_34 : i32
      "tpu.region"() ({
        %run_scoped3A = tpu.sem_alloc : memref<!tpu.dma_semaphore, #tpu.memory_space<semaphore_mem>>
        %dma_start3A = tpu.memref_slice %arg2[%add3A_35] : memref<320000xi32, #tpu.memory_space<hbm>> -> memref<80xi32, #tpu.memory_space<hbm>>
        %dma_start3A_36 = tpu.memref_slice %arg2[%add3A_35] : memref<320000xi32, #tpu.memory_space<hbm>> -> memref<80xi32, #tpu.memory_space<hbm>>
        tpu.enqueue_dma source(%dma_start3A_36 : memref<80xi32, #tpu.memory_space<hbm>>) target(%arg8 : memref<80xi32, #tpu.memory_space<vmem>>) target_semaphore(%run_scoped3A : memref<!tpu.dma_semaphore, #tpu.memory_space<semaphore_mem>>)
        %dma_wait3A = tpu.memref_slice %arg2[%add3A_35] : memref<320000xi32, #tpu.memory_space<hbm>> -> memref<80xi32, #tpu.memory_space<hbm>>
        %dma_wait3A_37 = tpu.memref_slice %arg2[%add3A_35] : memref<320000xi32, #tpu.memory_space<hbm>> -> memref<80xi32, #tpu.memory_space<hbm>>
        tpu.wait_dma2 semaphore(%run_scoped3A : memref<!tpu.dma_semaphore, #tpu.memory_space<semaphore_mem>>) src(%dma_wait3A_37 : memref<80xi32, #tpu.memory_space<hbm>>) dst(%arg8 : memref<80xi32, #tpu.memory_space<vmem>>)
        tpu.yield
      }) : () -> ()
      "tpu.region"() ({
        %run_scoped3A = tpu.sem_alloc : memref<!tpu.dma_semaphore, #tpu.memory_space<semaphore_mem>>
        %dma_start3A = tpu.memref_slice %arg3[%add3A_35] : memref<320000xi32, #tpu.memory_space<hbm>> -> memref<80xi32, #tpu.memory_space<hbm>>
        %dma_start3A_36 = tpu.memref_slice %arg3[%add3A_35] : memref<320000xi32, #tpu.memory_space<hbm>> -> memref<80xi32, #tpu.memory_space<hbm>>
        tpu.enqueue_dma source(%dma_start3A_36 : memref<80xi32, #tpu.memory_space<hbm>>) target(%arg9 : memref<80xi32, #tpu.memory_space<vmem>>) target_semaphore(%run_scoped3A : memref<!tpu.dma_semaphore, #tpu.memory_space<semaphore_mem>>)
        %dma_wait3A = tpu.memref_slice %arg3[%add3A_35] : memref<320000xi32, #tpu.memory_space<hbm>> -> memref<80xi32, #tpu.memory_space<hbm>>
        %dma_wait3A_37 = tpu.memref_slice %arg3[%add3A_35] : memref<320000xi32, #tpu.memory_space<hbm>> -> memref<80xi32, #tpu.memory_space<hbm>>
        tpu.wait_dma2 semaphore(%run_scoped3A : memref<!tpu.dma_semaphore, #tpu.memory_space<semaphore_mem>>) src(%dma_wait3A_37 : memref<80xi32, #tpu.memory_space<hbm>>) dst(%arg9 : memref<80xi32, #tpu.memory_space<vmem>>)
        tpu.yield
      }) : () -> ()
      "tpu.region"() ({
        %run_scoped3A = tpu.sem_alloc : memref<!tpu.dma_semaphore, #tpu.memory_space<semaphore_mem>>
        %dma_start3A = arith.constant 0 : i32
        %dma_start3A_36 = arith.constant 0 : i32
        %dma_start3A_37 = tpu.memref_slice %arg10[%dma_start3A, %dma_start3A_36] : memref<10000x16xf32, #tpu.memory_space<vmem_shared>> -> memref<10000x16xf32, #tpu.memory_space<vmem_shared>>
        tpu.enqueue_indirect_dma source(%arg6 : memref<80x16xf32, #tpu.memory_space<vmem>>) target(%dma_start3A_37 : memref<10000x16xf32, #tpu.memory_space<vmem_shared>>) offsets(%arg8 : memref<80xi32, #tpu.memory_space<vmem>>) semaphore(%run_scoped3A : memref<!tpu.dma_semaphore, #tpu.memory_space<semaphore_mem>>) {add = true}
        %dma_wait3A = arith.constant 0 : i32
        %dma_wait3A_38 = arith.constant 0 : i32
        %dma_wait3A_39 = tpu.memref_slice %arg10[%dma_wait3A, %dma_wait3A_38] : memref<10000x16xf32, #tpu.memory_space<vmem_shared>> -> memref<10000x16xf32, #tpu.memory_space<vmem_shared>>
        tpu.wait_indirect_dma semaphore(%run_scoped3A : memref<!tpu.dma_semaphore, #tpu.memory_space<semaphore_mem>>) src(%arg6 : memref<80x16xf32, #tpu.memory_space<vmem>>) dst(%dma_wait3A_39 : memref<10000x16xf32, #tpu.memory_space<vmem_shared>>)
        tpu.yield
      }) : () -> ()
      "tpu.region"() ({
        %run_scoped3A = tpu.sem_alloc : memref<!tpu.dma_semaphore, #tpu.memory_space<semaphore_mem>>
        %dma_start3A = arith.constant 0 : i32
        %dma_start3A_36 = arith.constant 0 : i32
        %dma_start3A_37 = tpu.memref_slice %arg11[%dma_start3A, %dma_start3A_36] : memref<10000x16xf32, #tpu.memory_space<vmem_shared>> -> memref<10000x16xf32, #tpu.memory_space<vmem_shared>>
        tpu.enqueue_indirect_dma source(%arg6 : memref<80x16xf32, #tpu.memory_space<vmem>>) target(%dma_start3A_37 : memref<10000x16xf32, #tpu.memory_space<vmem_shared>>) offsets(%arg9 : memref<80xi32, #tpu.memory_space<vmem>>) semaphore(%run_scoped3A : memref<!tpu.dma_semaphore, #tpu.memory_space<semaphore_mem>>) {add = true}
        %dma_wait3A = arith.constant 0 : i32
        %dma_wait3A_38 = arith.constant 0 : i32
        %dma_wait3A_39 = tpu.memref_slice %arg11[%dma_wait3A, %dma_wait3A_38] : memref<10000x16xf32, #tpu.memory_space<vmem_shared>> -> memref<10000x16xf32, #tpu.memory_space<vmem_shared>>
        tpu.wait_indirect_dma semaphore(%run_scoped3A : memref<!tpu.dma_semaphore, #tpu.memory_space<semaphore_mem>>) src(%arg6 : memref<80x16xf32, #tpu.memory_space<vmem>>) dst(%dma_wait3A_39 : memref<10000x16xf32, #tpu.memory_space<vmem_shared>>)
        tpu.yield
      }) : () -> ()
    }
    %scan3A_21 = arith.constant 125 : i32
    %barrier3A_22 = arith.constant 0 : index
    tpu.barrier barrier_id(%barrier3A_22)
    %scan3A_23 = arith.constant 0 : i32
    %scan3A_24 = arith.constant 8 : i32
    %scan3A_25 = arith.addi %scan3A_23, %scan3A_24 : i32
    %scan3A_26 = arith.constant 1 : i32
    scf.for %scan3A_28 = %scan3A_23 to %scan3A_25 step %scan3A_26  : i32 {
      %mul3A_29 = arith.constant 1 : i32
      %mul3A_30 = arith.muli %scan3A_28, %mul3A_29 : i32
      %add3A_31 = arith.constant 0 : i32
      %add3A_32 = arith.addi %add3A_31, %mul3A_30 : i32
      %mul3A_33 = arith.constant 16 : i32
      %mul3A_34 = arith.muli %add3A_32, %mul3A_33 : i32
      %add3A_35 = arith.addi %arg1, %mul3A_34 : i32
      %lt3A = arith.constant 125 : i32
      %lt3A_36 = arith.cmpi slt, %add3A_35, %lt3A : i32
      %convert_element_type3A = arith.extui %lt3A_36 : i1 to i32
      %cond3A = arith.constant 0 : i32
      %cond3A_37 = arith.cmpi ne, %convert_element_type3A, %cond3A : i32
      scf.if %cond3A_37 {
        %mul3A_38 = arith.constant 80 : i32
        %mul3A_39 = arith.muli %add3A_35, %mul3A_38 : i32
        %multiple_of3A = tpu.assume_multiple %mul3A_39, 8 : i32
        "tpu.region"() ({
          %run_scoped3A = tpu.sem_alloc : memref<!tpu.dma_semaphore, #tpu.memory_space<semaphore_mem>>
          %dma_start3A = arith.constant 0 : i32
          %dma_start3A_40 = tpu.memref_slice %arg10[%multiple_of3A, %dma_start3A] : memref<10000x16xf32, #tpu.memory_space<vmem_shared>> -> memref<80x16xf32, #tpu.memory_space<vmem_shared>>
          %dma_start3A_41 = arith.constant 0 : i32
          %dma_start3A_42 = tpu.memref_slice %arg10[%multiple_of3A, %dma_start3A_41] : memref<10000x16xf32, #tpu.memory_space<vmem_shared>> -> memref<80x16xf32, #tpu.memory_space<vmem_shared>>
          tpu.enqueue_dma source(%dma_start3A_42 : memref<80x16xf32, #tpu.memory_space<vmem_shared>>) target(%arg7 : memref<80x16xf32, #tpu.memory_space<vmem>>) target_semaphore(%run_scoped3A : memref<!tpu.dma_semaphore, #tpu.memory_space<semaphore_mem>>)
          %dma_wait3A = arith.constant 0 : i32
          %dma_wait3A_43 = tpu.memref_slice %arg10[%multiple_of3A, %dma_wait3A] : memref<10000x16xf32, #tpu.memory_space<vmem_shared>> -> memref<80x16xf32, #tpu.memory_space<vmem_shared>>
          %dma_wait3A_44 = arith.constant 0 : i32
          %dma_wait3A_45 = tpu.memref_slice %arg10[%multiple_of3A, %dma_wait3A_44] : memref<10000x16xf32, #tpu.memory_space<vmem_shared>> -> memref<80x16xf32, #tpu.memory_space<vmem_shared>>
          tpu.wait_dma2 semaphore(%run_scoped3A : memref<!tpu.dma_semaphore, #tpu.memory_space<semaphore_mem>>) src(%dma_wait3A_45 : memref<80x16xf32, #tpu.memory_space<vmem_shared>>) dst(%arg7 : memref<80x16xf32, #tpu.memory_space<vmem>>)
          tpu.yield
        }) : () -> ()
        "tpu.region"() ({
          %run_scoped3A = tpu.sem_alloc : memref<!tpu.dma_semaphore, #tpu.memory_space<semaphore_mem>>
          %dma_start3A = arith.constant 0 : i32
          %dma_start3A_40 = tpu.memref_slice %arg4[%arg0, %multiple_of3A, %dma_start3A] : memref<2x10000x16xf32, #tpu.memory_space<hbm>> -> memref<1x80x16xf32, #tpu.memory_space<hbm>>
          %dma_start3A_41 = tpu.memref_squeeze %dma_start3A_40 : memref<1x80x16xf32, #tpu.memory_space<hbm>> -> memref<80x16xf32, #tpu.memory_space<hbm>>
          %dma_start3A_42 = arith.constant 0 : i32
          %dma_start3A_43 = tpu.memref_slice %arg4[%arg0, %multiple_of3A, %dma_start3A_42] : memref<2x10000x16xf32, #tpu.memory_space<hbm>> -> memref<1x80x16xf32, #tpu.memory_space<hbm>>
          %dma_start3A_44 = tpu.memref_squeeze %dma_start3A_43 : memref<1x80x16xf32, #tpu.memory_space<hbm>> -> memref<80x16xf32, #tpu.memory_space<hbm>>
          tpu.enqueue_dma source(%arg7 : memref<80x16xf32, #tpu.memory_space<vmem>>) target(%dma_start3A_44 : memref<80x16xf32, #tpu.memory_space<hbm>>) target_semaphore(%run_scoped3A : memref<!tpu.dma_semaphore, #tpu.memory_space<semaphore_mem>>)
          %dma_wait3A = arith.constant 0 : i32
          %dma_wait3A_45 = tpu.memref_slice %arg4[%arg0, %multiple_of3A, %dma_wait3A] : memref<2x10000x16xf32, #tpu.memory_space<hbm>> -> memref<1x80x16xf32, #tpu.memory_space<hbm>>
          %dma_wait3A_46 = tpu.memref_squeeze %dma_wait3A_45 : memref<1x80x16xf32, #tpu.memory_space<hbm>> -> memref<80x16xf32, #tpu.memory_space<hbm>>
          %dma_wait3A_47 = arith.constant 0 : i32
          %dma_wait3A_48 = tpu.memref_slice %arg4[%arg0, %multiple_of3A, %dma_wait3A_47] : memref<2x10000x16xf32, #tpu.memory_space<hbm>> -> memref<1x80x16xf32, #tpu.memory_space<hbm>>
          %dma_wait3A_49 = tpu.memref_squeeze %dma_wait3A_48 : memref<1x80x16xf32, #tpu.memory_space<hbm>> -> memref<80x16xf32, #tpu.memory_space<hbm>>
          tpu.wait_dma2 semaphore(%run_scoped3A : memref<!tpu.dma_semaphore, #tpu.memory_space<semaphore_mem>>) src(%arg7 : memref<80x16xf32, #tpu.memory_space<vmem>>) dst(%dma_wait3A_49 : memref<80x16xf32, #tpu.memory_space<hbm>>)
          tpu.yield
        }) : () -> ()
        "tpu.region"() ({
          %run_scoped3A = tpu.sem_alloc : memref<!tpu.dma_semaphore, #tpu.memory_space<semaphore_mem>>
          %dma_start3A = arith.constant 0 : i32
          %dma_start3A_40 = tpu.memref_slice %arg11[%multiple_of3A, %dma_start3A] : memref<10000x16xf32, #tpu.memory_space<vmem_shared>> -> memref<80x16xf32, #tpu.memory_space<vmem_shared>>
          %dma_start3A_41 = arith.constant 0 : i32
          %dma_start3A_42 = tpu.memref_slice %arg11[%multiple_of3A, %dma_start3A_41] : memref<10000x16xf32, #tpu.memory_space<vmem_shared>> -> memref<80x16xf32, #tpu.memory_space<vmem_shared>>
          tpu.enqueue_dma source(%dma_start3A_42 : memref<80x16xf32, #tpu.memory_space<vmem_shared>>) target(%arg7 : memref<80x16xf32, #tpu.memory_space<vmem>>) target_semaphore(%run_scoped3A : memref<!tpu.dma_semaphore, #tpu.memory_space<semaphore_mem>>)
          %dma_wait3A = arith.constant 0 : i32
          %dma_wait3A_43 = tpu.memref_slice %arg11[%multiple_of3A, %dma_wait3A] : memref<10000x16xf32, #tpu.memory_space<vmem_shared>> -> memref<80x16xf32, #tpu.memory_space<vmem_shared>>
          %dma_wait3A_44 = arith.constant 0 : i32
          %dma_wait3A_45 = tpu.memref_slice %arg11[%multiple_of3A, %dma_wait3A_44] : memref<10000x16xf32, #tpu.memory_space<vmem_shared>> -> memref<80x16xf32, #tpu.memory_space<vmem_shared>>
          tpu.wait_dma2 semaphore(%run_scoped3A : memref<!tpu.dma_semaphore, #tpu.memory_space<semaphore_mem>>) src(%dma_wait3A_45 : memref<80x16xf32, #tpu.memory_space<vmem_shared>>) dst(%arg7 : memref<80x16xf32, #tpu.memory_space<vmem>>)
          tpu.yield
        }) : () -> ()
        "tpu.region"() ({
          %run_scoped3A = tpu.sem_alloc : memref<!tpu.dma_semaphore, #tpu.memory_space<semaphore_mem>>
          %dma_start3A = arith.constant 0 : i32
          %dma_start3A_40 = tpu.memref_slice %arg5[%arg0, %multiple_of3A, %dma_start3A] : memref<2x10000x16xf32, #tpu.memory_space<hbm>> -> memref<1x80x16xf32, #tpu.memory_space<hbm>>
          %dma_start3A_41 = tpu.memref_squeeze %dma_start3A_40 : memref<1x80x16xf32, #tpu.memory_space<hbm>> -> memref<80x16xf32, #tpu.memory_space<hbm>>
          %dma_start3A_42 = arith.constant 0 : i32
          %dma_start3A_43 = tpu.memref_slice %arg5[%arg0, %multiple_of3A, %dma_start3A_42] : memref<2x10000x16xf32, #tpu.memory_space<hbm>> -> memref<1x80x16xf32, #tpu.memory_space<hbm>>
          %dma_start3A_44 = tpu.memref_squeeze %dma_start3A_43 : memref<1x80x16xf32, #tpu.memory_space<hbm>> -> memref<80x16xf32, #tpu.memory_space<hbm>>
          tpu.enqueue_dma source(%arg7 : memref<80x16xf32, #tpu.memory_space<vmem>>) target(%dma_start3A_44 : memref<80x16xf32, #tpu.memory_space<hbm>>) target_semaphore(%run_scoped3A : memref<!tpu.dma_semaphore, #tpu.memory_space<semaphore_mem>>)
          %dma_wait3A = arith.constant 0 : i32
          %dma_wait3A_45 = tpu.memref_slice %arg5[%arg0, %multiple_of3A, %dma_wait3A] : memref<2x10000x16xf32, #tpu.memory_space<hbm>> -> memref<1x80x16xf32, #tpu.memory_space<hbm>>
          %dma_wait3A_46 = tpu.memref_squeeze %dma_wait3A_45 : memref<1x80x16xf32, #tpu.memory_space<hbm>> -> memref<80x16xf32, #tpu.memory_space<hbm>>
          %dma_wait3A_47 = arith.constant 0 : i32
          %dma_wait3A_48 = tpu.memref_slice %arg5[%arg0, %multiple_of3A, %dma_wait3A_47] : memref<2x10000x16xf32, #tpu.memory_space<hbm>> -> memref<1x80x16xf32, #tpu.memory_space<hbm>>
          %dma_wait3A_49 = tpu.memref_squeeze %dma_wait3A_48 : memref<1x80x16xf32, #tpu.memory_space<hbm>> -> memref<80x16xf32, #tpu.memory_space<hbm>>
          tpu.wait_dma2 semaphore(%run_scoped3A : memref<!tpu.dma_semaphore, #tpu.memory_space<semaphore_mem>>) src(%arg7 : memref<80x16xf32, #tpu.memory_space<vmem>>) dst(%dma_wait3A_49 : memref<80x16xf32, #tpu.memory_space<hbm>>)
          tpu.yield
        }) : () -> ()
      } else {
      }
    }
    %scan3A_27 = arith.constant 8 : i32
    return
  }
}

#map = affine_map<(d0, d1) -> (0, 0)>
#map1 = affine_map<(d0, d1) -> (0)>
#map2 = affine_map<(d0, d1) -> (0, 0, 0)>
module attributes {stable_mosaic.version = 14 : i64} {
  func.func @_agg_body(%arg0: i32, %arg1: i32, %arg2: memref<10000x128xf32, #tpu.memory_space<hbm>>, %arg3: memref<320000xi32, #tpu.memory_space<hbm>>, %arg4: memref<320000xi32, #tpu.memory_space<hbm>>, %arg5: memref<2x10000x128xf32, #tpu.memory_space<hbm>>, %arg6: memref<40xi32, #tpu.memory_space<vmem>>, %arg7: memref<40xi32, #tpu.memory_space<vmem>>, %arg8: memref<40xi32, #tpu.memory_space<vmem>>, %arg9: memref<40xi32, #tpu.memory_space<vmem>>, %arg10: memref<40x128xf32, #tpu.memory_space<vmem>>, %arg11: memref<40x128xf32, #tpu.memory_space<vmem>>, %arg12: memref<10000x128xf32, #tpu.memory_space<vmem_shared>>, %arg13: memref<!tpu.dma_semaphore, #tpu.memory_space<semaphore_mem>>, %arg14: memref<!tpu.dma_semaphore, #tpu.memory_space<semaphore_mem>>, %arg15: memref<!tpu.dma_semaphore, #tpu.memory_space<semaphore_mem>>, %arg16: memref<!tpu.dma_semaphore, #tpu.memory_space<semaphore_mem>>) attributes {dimension_semantics = [#tpu.dimension_semantics<core_parallel>, #tpu.dimension_semantics<subcore_parallel>], iteration_bounds = array<i64: 2, 16>, scalar_prefetch = 0 : i64, scratch_operands = 11 : i64, tpu.core_type = #tpu.core_type<sc_vector_subcore>, window_params = [{transform_indices = #map}, {transform_indices = #map1}, {transform_indices = #map1}, {transform_indices = #map2}]} {
    %mul3A = arith.constant 16 : i32
    %mul3A_0 = arith.muli %arg0, %mul3A : i32
    %add3A = arith.addi %mul3A_0, %arg1 : i32
    %mul3A_1 = arith.constant 250 : i32
    %mul3A_2 = arith.muli %add3A, %mul3A_1 : i32
    %scan3A = arith.constant 0 : i32
    %scan3A_3 = arith.constant 40 : i32
    %scan3A_4 = arith.addi %scan3A, %scan3A_3 : i32
    %scan3A_5 = arith.constant 1 : i32
    scf.for %scan3A_44 = %scan3A to %scan3A_4 step %scan3A_5  : i32 {
      %mul3A_45 = arith.constant 1 : i32
      %mul3A_46 = arith.muli %scan3A_44, %mul3A_45 : i32
      %add3A_47 = arith.constant 0 : i32
      %add3A_48 = arith.addi %add3A_47, %mul3A_46 : i32
      %scan3A_49 = arith.constant 0 : i32
      %scan3A_50 = arith.constant 8 : i32
      %scan3A_51 = arith.addi %scan3A_49, %scan3A_50 : i32
      %scan3A_52 = arith.constant 1 : i32
      scf.for %scan3A_54 = %scan3A_49 to %scan3A_51 step %scan3A_52  : i32 {
        %mul3A_55 = arith.constant 16 : i32
        %mul3A_56 = arith.muli %scan3A_54, %mul3A_55 : i32
        %add3A_57 = arith.constant 0 : i32
        %add3A_58 = arith.addi %add3A_57, %mul3A_56 : i32
        %broadcast_in_dim3A = arith.constant 0.000000e+00 : f32
        %broadcast_in_dim3A_59 = vector.broadcast %broadcast_in_dim3A : f32 to vector<16xf32>
        %swap3A = arith.index_cast %add3A_48 : i32 to index
        %swap3A_60 = arith.index_cast %add3A_58 : i32 to index
        %swap3A_61 = tpu.vector_load %arg10[%swap3A, %swap3A_60] {strides = array<i32>} : memref<40x128xf32, #tpu.memory_space<vmem>>, vector<1x16xf32>,
        %swap3A_62 = vector.shape_cast %swap3A_61 : vector<1x16xf32> to vector<16xf32>
        %swap3A_63 = vector.shape_cast %broadcast_in_dim3A_59 : vector<16xf32> to vector<1x16xf32>
        tpu.vector_store %arg10[%swap3A, %swap3A_60], %swap3A_63 {strides = array<i32>} : memref<40x128xf32, #tpu.memory_space<vmem>>, vector<1x16xf32>,
      }
      %scan3A_53 = arith.constant 8 : i32
    }
    %scan3A_6 = arith.constant 40 : i32
    %scan3A_7 = arith.constant 0 : i32
    %scan3A_8 = arith.constant 16 : i32
    %scan3A_9 = arith.addi %scan3A_7, %scan3A_8 : i32
    %scan3A_10 = arith.constant 1 : i32
    scf.for %scan3A_44 = %scan3A_7 to %scan3A_9 step %scan3A_10  : i32 {
      %mul3A_45 = arith.constant 1 : i32
      %mul3A_46 = arith.muli %scan3A_44, %mul3A_45 : i32
      %add3A_47 = arith.constant 0 : i32
      %add3A_48 = arith.addi %add3A_47, %mul3A_46 : i32
      %mul3A_49 = arith.constant 16 : i32
      %mul3A_50 = arith.muli %add3A_48, %mul3A_49 : i32
      %add3A_51 = arith.addi %arg1, %mul3A_50 : i32
      %lt3A = arith.constant 250 : i32
      %lt3A_52 = arith.cmpi slt, %add3A_51, %lt3A : i32
      %convert_element_type3A = arith.extui %lt3A_52 : i1 to i32
      %cond3A = arith.constant 0 : i32
      %cond3A_53 = arith.cmpi ne, %convert_element_type3A, %cond3A : i32
      scf.if %cond3A_53 {
        %mul3A_54 = arith.constant 40 : i32
        %mul3A_55 = arith.muli %add3A_51, %mul3A_54 : i32
        %multiple_of3A = tpu.assume_multiple %mul3A_55, 8 : i32
        "tpu.region"() ({
          %run_scoped3A = tpu.sem_alloc : memref<!tpu.dma_semaphore, #tpu.memory_space<semaphore_mem>>
          %dma_start3A_56 = arith.constant 0 : i32
          %dma_start3A_57 = tpu.memref_slice %arg12[%multiple_of3A, %dma_start3A_56] : memref<10000x128xf32, #tpu.memory_space<vmem_shared>> -> memref<40x128xf32, #tpu.memory_space<vmem_shared>>
          %dma_start3A_58 = arith.constant 0 : i32
          %dma_start3A_59 = tpu.memref_slice %arg12[%multiple_of3A, %dma_start3A_58] : memref<10000x128xf32, #tpu.memory_space<vmem_shared>> -> memref<40x128xf32, #tpu.memory_space<vmem_shared>>
          tpu.enqueue_dma source(%arg10 : memref<40x128xf32, #tpu.memory_space<vmem>>) target(%dma_start3A_59 : memref<40x128xf32, #tpu.memory_space<vmem_shared>>) target_semaphore(%run_scoped3A : memref<!tpu.dma_semaphore, #tpu.memory_space<semaphore_mem>>)
          %dma_wait3A_60 = arith.constant 0 : i32
          %dma_wait3A_61 = tpu.memref_slice %arg12[%multiple_of3A, %dma_wait3A_60] : memref<10000x128xf32, #tpu.memory_space<vmem_shared>> -> memref<40x128xf32, #tpu.memory_space<vmem_shared>>
          %dma_wait3A_62 = arith.constant 0 : i32
          %dma_wait3A_63 = tpu.memref_slice %arg12[%multiple_of3A, %dma_wait3A_62] : memref<10000x128xf32, #tpu.memory_space<vmem_shared>> -> memref<40x128xf32, #tpu.memory_space<vmem_shared>>
          tpu.wait_dma2 semaphore(%run_scoped3A : memref<!tpu.dma_semaphore, #tpu.memory_space<semaphore_mem>>) src(%arg10 : memref<40x128xf32, #tpu.memory_space<vmem>>) dst(%dma_wait3A_63 : memref<40x128xf32, #tpu.memory_space<vmem_shared>>)
          tpu.yield
        }) : () -> ()
      } else {
      }
    }
    %scan3A_11 = arith.constant 16 : i32
    %mul3A_12 = arith.constant 40 : i32
    %mul3A_13 = arith.muli %mul3A_2, %mul3A_12 : i32
    %dma_start3A = tpu.memref_slice %arg3[%mul3A_13] : memref<320000xi32, #tpu.memory_space<hbm>> -> memref<40xi32, #tpu.memory_space<hbm>>
    %dma_start3A_14 = tpu.memref_slice %arg3[%mul3A_13] : memref<320000xi32, #tpu.memory_space<hbm>> -> memref<40xi32, #tpu.memory_space<hbm>>
    tpu.enqueue_dma source(%dma_start3A_14 : memref<40xi32, #tpu.memory_space<hbm>>) target(%arg6 : memref<40xi32, #tpu.memory_space<vmem>>) target_semaphore(%arg13 : memref<!tpu.dma_semaphore, #tpu.memory_space<semaphore_mem>>)
    %dma_start3A_15 = tpu.memref_slice %arg4[%mul3A_13] : memref<320000xi32, #tpu.memory_space<hbm>> -> memref<40xi32, #tpu.memory_space<hbm>>
    %dma_start3A_16 = tpu.memref_slice %arg4[%mul3A_13] : memref<320000xi32, #tpu.memory_space<hbm>> -> memref<40xi32, #tpu.memory_space<hbm>>
    tpu.enqueue_dma source(%dma_start3A_16 : memref<40xi32, #tpu.memory_space<hbm>>) target(%arg7 : memref<40xi32, #tpu.memory_space<vmem>>) target_semaphore(%arg13 : memref<!tpu.dma_semaphore, #tpu.memory_space<semaphore_mem>>)
    %add3A_17 = arith.constant 1 : i32
    %add3A_18 = arith.addi %mul3A_2, %add3A_17 : i32
    %mul3A_19 = arith.constant 40 : i32
    %mul3A_20 = arith.muli %add3A_18, %mul3A_19 : i32
    %dma_start3A_21 = tpu.memref_slice %arg3[%mul3A_20] : memref<320000xi32, #tpu.memory_space<hbm>> -> memref<40xi32, #tpu.memory_space<hbm>>
    %dma_start3A_22 = tpu.memref_slice %arg3[%mul3A_20] : memref<320000xi32, #tpu.memory_space<hbm>> -> memref<40xi32, #tpu.memory_space<hbm>>
    tpu.enqueue_dma source(%dma_start3A_22 : memref<40xi32, #tpu.memory_space<hbm>>) target(%arg8 : memref<40xi32, #tpu.memory_space<vmem>>) target_semaphore(%arg14 : memref<!tpu.dma_semaphore, #tpu.memory_space<semaphore_mem>>)
    %dma_start3A_23 = tpu.memref_slice %arg4[%mul3A_20] : memref<320000xi32, #tpu.memory_space<hbm>> -> memref<40xi32, #tpu.memory_space<hbm>>
    %dma_start3A_24 = tpu.memref_slice %arg4[%mul3A_20] : memref<320000xi32, #tpu.memory_space<hbm>> -> memref<40xi32, #tpu.memory_space<hbm>>
    tpu.enqueue_dma source(%dma_start3A_24 : memref<40xi32, #tpu.memory_space<hbm>>) target(%arg9 : memref<40xi32, #tpu.memory_space<vmem>>) target_semaphore(%arg14 : memref<!tpu.dma_semaphore, #tpu.memory_space<semaphore_mem>>)
    %barrier3A = arith.constant 0 : index
    tpu.barrier barrier_id(%barrier3A)
    %mul3A_25 = arith.constant 40 : i32
    %mul3A_26 = arith.muli %mul3A_2, %mul3A_25 : i32
    %dma_wait3A = tpu.memref_slice %arg3[%mul3A_26] : memref<320000xi32, #tpu.memory_space<hbm>> -> memref<40xi32, #tpu.memory_space<hbm>>
    %dma_wait3A_27 = tpu.memref_slice %arg3[%mul3A_26] : memref<320000xi32, #tpu.memory_space<hbm>> -> memref<40xi32, #tpu.memory_space<hbm>>
    tpu.wait_dma2 semaphore(%arg13 : memref<!tpu.dma_semaphore, #tpu.memory_space<semaphore_mem>>) src(%dma_wait3A_27 : memref<40xi32, #tpu.memory_space<hbm>>) dst(%arg6 : memref<40xi32, #tpu.memory_space<vmem>>)
    %dma_wait3A_28 = tpu.memref_slice %arg4[%mul3A_26] : memref<320000xi32, #tpu.memory_space<hbm>> -> memref<40xi32, #tpu.memory_space<hbm>>
    %dma_wait3A_29 = tpu.memref_slice %arg4[%mul3A_26] : memref<320000xi32, #tpu.memory_space<hbm>> -> memref<40xi32, #tpu.memory_space<hbm>>
    tpu.wait_dma2 semaphore(%arg13 : memref<!tpu.dma_semaphore, #tpu.memory_space<semaphore_mem>>) src(%dma_wait3A_29 : memref<40xi32, #tpu.memory_space<hbm>>) dst(%arg7 : memref<40xi32, #tpu.memory_space<vmem>>)
    %dma_start3A_30 = arith.constant 0 : i32
    %dma_start3A_31 = arith.constant 0 : i32
    %dma_start3A_32 = tpu.memref_slice %arg2[%dma_start3A_30, %dma_start3A_31] : memref<10000x128xf32, #tpu.memory_space<hbm>> -> memref<10000x128xf32, #tpu.memory_space<hbm>>
    tpu.enqueue_indirect_dma source(%dma_start3A_32 : memref<10000x128xf32, #tpu.memory_space<hbm>>) target(%arg10 : memref<40x128xf32, #tpu.memory_space<vmem>>) offsets(%arg6 : memref<40xi32, #tpu.memory_space<vmem>>) semaphore(%arg15 : memref<!tpu.dma_semaphore, #tpu.memory_space<semaphore_mem>>)
    %scan3A_33 = arith.constant 0 : i32
    %scan3A_34 = arith.constant 125 : i32
    %scan3A_35 = arith.addi %scan3A_33, %scan3A_34 : i32
    %scan3A_36 = arith.constant 1 : i32
    scf.for %scan3A_44 = %scan3A_33 to %scan3A_35 step %scan3A_36  : i32 {
      %mul3A_45 = arith.constant 1 : i32
      %mul3A_46 = arith.muli %scan3A_44, %mul3A_45 : i32
      %add3A_47 = arith.constant 0 : i32
      %add3A_48 = arith.addi %add3A_47, %mul3A_46 : i32
      %mul3A_49 = arith.constant 2 : i32
      %mul3A_50 = arith.muli %add3A_48, %mul3A_49 : i32
      %dma_wait3A_51 = arith.constant 0 : i32
      %dma_wait3A_52 = arith.constant 0 : i32
      %dma_wait3A_53 = tpu.memref_slice %arg2[%dma_wait3A_51, %dma_wait3A_52] : memref<10000x128xf32, #tpu.memory_space<hbm>> -> memref<10000x128xf32, #tpu.memory_space<hbm>>
      tpu.wait_indirect_dma semaphore(%arg15 : memref<!tpu.dma_semaphore, #tpu.memory_space<semaphore_mem>>) src(%dma_wait3A_53 : memref<10000x128xf32, #tpu.memory_space<hbm>>) dst(%arg10 : memref<40x128xf32, #tpu.memory_space<vmem>>)
      "tpu.region"() ({
        %run_scoped3A = tpu.sem_alloc : memref<!tpu.dma_semaphore, #tpu.memory_space<semaphore_mem>>
        %dma_start3A_86 = arith.constant 0 : i32
        %dma_start3A_87 = arith.constant 0 : i32
        %dma_start3A_88 = tpu.memref_slice %arg12[%dma_start3A_86, %dma_start3A_87] : memref<10000x128xf32, #tpu.memory_space<vmem_shared>> -> memref<10000x128xf32, #tpu.memory_space<vmem_shared>>
        tpu.enqueue_indirect_dma source(%arg10 : memref<40x128xf32, #tpu.memory_space<vmem>>) target(%dma_start3A_88 : memref<10000x128xf32, #tpu.memory_space<vmem_shared>>) offsets(%arg7 : memref<40xi32, #tpu.memory_space<vmem>>) semaphore(%run_scoped3A : memref<!tpu.dma_semaphore, #tpu.memory_space<semaphore_mem>>) {add = true}
        %dma_wait3A_89 = arith.constant 0 : i32
        %dma_wait3A_90 = arith.constant 0 : i32
        %dma_wait3A_91 = tpu.memref_slice %arg12[%dma_wait3A_89, %dma_wait3A_90] : memref<10000x128xf32, #tpu.memory_space<vmem_shared>> -> memref<10000x128xf32, #tpu.memory_space<vmem_shared>>
        tpu.wait_indirect_dma semaphore(%run_scoped3A : memref<!tpu.dma_semaphore, #tpu.memory_space<semaphore_mem>>) src(%arg10 : memref<40x128xf32, #tpu.memory_space<vmem>>) dst(%dma_wait3A_91 : memref<10000x128xf32, #tpu.memory_space<vmem_shared>>)
        tpu.yield
      }) : () -> ()
      %add3A_54 = arith.constant 2 : i32
      %add3A_55 = arith.addi %mul3A_50, %add3A_54 : i32
      %lt3A = arith.constant 250 : i32
      %lt3A_56 = arith.cmpi slt, %add3A_55, %lt3A : i32
      %convert_element_type3A = arith.extui %lt3A_56 : i1 to i32
      %cond3A = arith.constant 0 : i32
      %cond3A_57 = arith.cmpi ne, %convert_element_type3A, %cond3A : i32
      scf.if %cond3A_57 {
        %add3A_86 = arith.addi %mul3A_2, %mul3A_50 : i32
        %add3A_87 = arith.constant 2 : i32
        %add3A_88 = arith.addi %add3A_86, %add3A_87 : i32
        %mul3A_89 = arith.constant 40 : i32
        %mul3A_90 = arith.muli %add3A_88, %mul3A_89 : i32
        %dma_start3A_91 = tpu.memref_slice %arg3[%mul3A_90] : memref<320000xi32, #tpu.memory_space<hbm>> -> memref<40xi32, #tpu.memory_space<hbm>>
        %dma_start3A_92 = tpu.memref_slice %arg3[%mul3A_90] : memref<320000xi32, #tpu.memory_space<hbm>> -> memref<40xi32, #tpu.memory_space<hbm>>
        tpu.enqueue_dma source(%dma_start3A_92 : memref<40xi32, #tpu.memory_space<hbm>>) target(%arg6 : memref<40xi32, #tpu.memory_space<vmem>>) target_semaphore(%arg13 : memref<!tpu.dma_semaphore, #tpu.memory_space<semaphore_mem>>)
        %dma_start3A_93 = tpu.memref_slice %arg4[%mul3A_90] : memref<320000xi32, #tpu.memory_space<hbm>> -> memref<40xi32, #tpu.memory_space<hbm>>
        %dma_start3A_94 = tpu.memref_slice %arg4[%mul3A_90] : memref<320000xi32, #tpu.memory_space<hbm>> -> memref<40xi32, #tpu.memory_space<hbm>>
        tpu.enqueue_dma source(%dma_start3A_94 : memref<40xi32, #tpu.memory_space<hbm>>) target(%arg7 : memref<40xi32, #tpu.memory_space<vmem>>) target_semaphore(%arg13 : memref<!tpu.dma_semaphore, #tpu.memory_space<semaphore_mem>>)
      } else {
      }
      %add3A_58 = arith.constant 1 : i32
      %add3A_59 = arith.addi %mul3A_50, %add3A_58 : i32
      %lt3A_60 = arith.constant 250 : i32
      %lt3A_61 = arith.cmpi slt, %add3A_59, %lt3A_60 : i32
      %convert_element_type3A_62 = arith.extui %lt3A_61 : i1 to i32
      %cond3A_63 = arith.constant 0 : i32
      %cond3A_64 = arith.cmpi ne, %convert_element_type3A_62, %cond3A_63 : i32
      scf.if %cond3A_64 {
        %add3A_86 = arith.addi %mul3A_2, %mul3A_50 : i32
        %add3A_87 = arith.constant 1 : i32
        %add3A_88 = arith.addi %add3A_86, %add3A_87 : i32
        %mul3A_89 = arith.constant 40 : i32
        %mul3A_90 = arith.muli %add3A_88, %mul3A_89 : i32
        %dma_wait3A_91 = tpu.memref_slice %arg3[%mul3A_90] : memref<320000xi32, #tpu.memory_space<hbm>> -> memref<40xi32, #tpu.memory_space<hbm>>
        %dma_wait3A_92 = tpu.memref_slice %arg3[%mul3A_90] : memref<320000xi32, #tpu.memory_space<hbm>> -> memref<40xi32, #tpu.memory_space<hbm>>
        tpu.wait_dma2 semaphore(%arg14 : memref<!tpu.dma_semaphore, #tpu.memory_space<semaphore_mem>>) src(%dma_wait3A_92 : memref<40xi32, #tpu.memory_space<hbm>>) dst(%arg8 : memref<40xi32, #tpu.memory_space<vmem>>)
        %dma_wait3A_93 = tpu.memref_slice %arg4[%mul3A_90] : memref<320000xi32, #tpu.memory_space<hbm>> -> memref<40xi32, #tpu.memory_space<hbm>>
        %dma_wait3A_94 = tpu.memref_slice %arg4[%mul3A_90] : memref<320000xi32, #tpu.memory_space<hbm>> -> memref<40xi32, #tpu.memory_space<hbm>>
        tpu.wait_dma2 semaphore(%arg14 : memref<!tpu.dma_semaphore, #tpu.memory_space<semaphore_mem>>) src(%dma_wait3A_94 : memref<40xi32, #tpu.memory_space<hbm>>) dst(%arg9 : memref<40xi32, #tpu.memory_space<vmem>>)
        %dma_start3A_95 = arith.constant 0 : i32
        %dma_start3A_96 = arith.constant 0 : i32
        %dma_start3A_97 = tpu.memref_slice %arg2[%dma_start3A_95, %dma_start3A_96] : memref<10000x128xf32, #tpu.memory_space<hbm>> -> memref<10000x128xf32, #tpu.memory_space<hbm>>
        tpu.enqueue_indirect_dma source(%dma_start3A_97 : memref<10000x128xf32, #tpu.memory_space<hbm>>) target(%arg11 : memref<40x128xf32, #tpu.memory_space<vmem>>) offsets(%arg8 : memref<40xi32, #tpu.memory_space<vmem>>) semaphore(%arg16 : memref<!tpu.dma_semaphore, #tpu.memory_space<semaphore_mem>>)
      } else {
      }
      %mul3A_65 = arith.constant 2 : i32
      %mul3A_66 = arith.muli %add3A_48, %mul3A_65 : i32
      %add3A_67 = arith.constant 1 : i32
      %add3A_68 = arith.addi %mul3A_66, %add3A_67 : i32
      %dma_wait3A_69 = arith.constant 0 : i32
      %dma_wait3A_70 = arith.constant 0 : i32
      %dma_wait3A_71 = tpu.memref_slice %arg2[%dma_wait3A_69, %dma_wait3A_70] : memref<10000x128xf32, #tpu.memory_space<hbm>> -> memref<10000x128xf32, #tpu.memory_space<hbm>>
      tpu.wait_indirect_dma semaphore(%arg16 : memref<!tpu.dma_semaphore, #tpu.memory_space<semaphore_mem>>) src(%dma_wait3A_71 : memref<10000x128xf32, #tpu.memory_space<hbm>>) dst(%arg11 : memref<40x128xf32, #tpu.memory_space<vmem>>)
      "tpu.region"() ({
        %run_scoped3A = tpu.sem_alloc : memref<!tpu.dma_semaphore, #tpu.memory_space<semaphore_mem>>
        %dma_start3A_86 = arith.constant 0 : i32
        %dma_start3A_87 = arith.constant 0 : i32
        %dma_start3A_88 = tpu.memref_slice %arg12[%dma_start3A_86, %dma_start3A_87] : memref<10000x128xf32, #tpu.memory_space<vmem_shared>> -> memref<10000x128xf32, #tpu.memory_space<vmem_shared>>
        tpu.enqueue_indirect_dma source(%arg11 : memref<40x128xf32, #tpu.memory_space<vmem>>) target(%dma_start3A_88 : memref<10000x128xf32, #tpu.memory_space<vmem_shared>>) offsets(%arg9 : memref<40xi32, #tpu.memory_space<vmem>>) semaphore(%run_scoped3A : memref<!tpu.dma_semaphore, #tpu.memory_space<semaphore_mem>>) {add = true}
        %dma_wait3A_89 = arith.constant 0 : i32
        %dma_wait3A_90 = arith.constant 0 : i32
        %dma_wait3A_91 = tpu.memref_slice %arg12[%dma_wait3A_89, %dma_wait3A_90] : memref<10000x128xf32, #tpu.memory_space<vmem_shared>> -> memref<10000x128xf32, #tpu.memory_space<vmem_shared>>
        tpu.wait_indirect_dma semaphore(%run_scoped3A : memref<!tpu.dma_semaphore, #tpu.memory_space<semaphore_mem>>) src(%arg11 : memref<40x128xf32, #tpu.memory_space<vmem>>) dst(%dma_wait3A_91 : memref<10000x128xf32, #tpu.memory_space<vmem_shared>>)
        tpu.yield
      }) : () -> ()
      %add3A_72 = arith.constant 2 : i32
      %add3A_73 = arith.addi %add3A_68, %add3A_72 : i32
      %lt3A_74 = arith.constant 250 : i32
      %lt3A_75 = arith.cmpi slt, %add3A_73, %lt3A_74 : i32
      %convert_element_type3A_76 = arith.extui %lt3A_75 : i1 to i32
      %cond3A_77 = arith.constant 0 : i32
      %cond3A_78 = arith.cmpi ne, %convert_element_type3A_76, %cond3A_77 : i32
      scf.if %cond3A_78 {
        %add3A_86 = arith.addi %mul3A_2, %add3A_68 : i32
        %add3A_87 = arith.constant 2 : i32
        %add3A_88 = arith.addi %add3A_86, %add3A_87 : i32
        %mul3A_89 = arith.constant 40 : i32
        %mul3A_90 = arith.muli %add3A_88, %mul3A_89 : i32
        %dma_start3A_91 = tpu.memref_slice %arg3[%mul3A_90] : memref<320000xi32, #tpu.memory_space<hbm>> -> memref<40xi32, #tpu.memory_space<hbm>>
        %dma_start3A_92 = tpu.memref_slice %arg3[%mul3A_90] : memref<320000xi32, #tpu.memory_space<hbm>> -> memref<40xi32, #tpu.memory_space<hbm>>
        tpu.enqueue_dma source(%dma_start3A_92 : memref<40xi32, #tpu.memory_space<hbm>>) target(%arg8 : memref<40xi32, #tpu.memory_space<vmem>>) target_semaphore(%arg14 : memref<!tpu.dma_semaphore, #tpu.memory_space<semaphore_mem>>)
        %dma_start3A_93 = tpu.memref_slice %arg4[%mul3A_90] : memref<320000xi32, #tpu.memory_space<hbm>> -> memref<40xi32, #tpu.memory_space<hbm>>
        %dma_start3A_94 = tpu.memref_slice %arg4[%mul3A_90] : memref<320000xi32, #tpu.memory_space<hbm>> -> memref<40xi32, #tpu.memory_space<hbm>>
        tpu.enqueue_dma source(%dma_start3A_94 : memref<40xi32, #tpu.memory_space<hbm>>) target(%arg9 : memref<40xi32, #tpu.memory_space<vmem>>) target_semaphore(%arg14 : memref<!tpu.dma_semaphore, #tpu.memory_space<semaphore_mem>>)
      } else {
      }
      %add3A_79 = arith.constant 1 : i32
      %add3A_80 = arith.addi %add3A_68, %add3A_79 : i32
      %lt3A_81 = arith.constant 250 : i32
      %lt3A_82 = arith.cmpi slt, %add3A_80, %lt3A_81 : i32
      %convert_element_type3A_83 = arith.extui %lt3A_82 : i1 to i32
      %cond3A_84 = arith.constant 0 : i32
      %cond3A_85 = arith.cmpi ne, %convert_element_type3A_83, %cond3A_84 : i32
      scf.if %cond3A_85 {
        %add3A_86 = arith.addi %mul3A_2, %add3A_68 : i32
        %add3A_87 = arith.constant 1 : i32
        %add3A_88 = arith.addi %add3A_86, %add3A_87 : i32
        %mul3A_89 = arith.constant 40 : i32
        %mul3A_90 = arith.muli %add3A_88, %mul3A_89 : i32
        %dma_wait3A_91 = tpu.memref_slice %arg3[%mul3A_90] : memref<320000xi32, #tpu.memory_space<hbm>> -> memref<40xi32, #tpu.memory_space<hbm>>
        %dma_wait3A_92 = tpu.memref_slice %arg3[%mul3A_90] : memref<320000xi32, #tpu.memory_space<hbm>> -> memref<40xi32, #tpu.memory_space<hbm>>
        tpu.wait_dma2 semaphore(%arg13 : memref<!tpu.dma_semaphore, #tpu.memory_space<semaphore_mem>>) src(%dma_wait3A_92 : memref<40xi32, #tpu.memory_space<hbm>>) dst(%arg6 : memref<40xi32, #tpu.memory_space<vmem>>)
        %dma_wait3A_93 = tpu.memref_slice %arg4[%mul3A_90] : memref<320000xi32, #tpu.memory_space<hbm>> -> memref<40xi32, #tpu.memory_space<hbm>>
        %dma_wait3A_94 = tpu.memref_slice %arg4[%mul3A_90] : memref<320000xi32, #tpu.memory_space<hbm>> -> memref<40xi32, #tpu.memory_space<hbm>>
        tpu.wait_dma2 semaphore(%arg13 : memref<!tpu.dma_semaphore, #tpu.memory_space<semaphore_mem>>) src(%dma_wait3A_94 : memref<40xi32, #tpu.memory_space<hbm>>) dst(%arg7 : memref<40xi32, #tpu.memory_space<vmem>>)
        %dma_start3A_95 = arith.constant 0 : i32
        %dma_start3A_96 = arith.constant 0 : i32
        %dma_start3A_97 = tpu.memref_slice %arg2[%dma_start3A_95, %dma_start3A_96] : memref<10000x128xf32, #tpu.memory_space<hbm>> -> memref<10000x128xf32, #tpu.memory_space<hbm>>
        tpu.enqueue_indirect_dma source(%dma_start3A_97 : memref<10000x128xf32, #tpu.memory_space<hbm>>) target(%arg10 : memref<40x128xf32, #tpu.memory_space<vmem>>) offsets(%arg6 : memref<40xi32, #tpu.memory_space<vmem>>) semaphore(%arg15 : memref<!tpu.dma_semaphore, #tpu.memory_space<semaphore_mem>>)
      } else {
      }
    }
    %scan3A_37 = arith.constant 125 : i32
    %barrier3A_38 = arith.constant 0 : index
    tpu.barrier barrier_id(%barrier3A_38)
    %scan3A_39 = arith.constant 0 : i32
    %scan3A_40 = arith.constant 16 : i32
    %scan3A_41 = arith.addi %scan3A_39, %scan3A_40 : i32
    %scan3A_42 = arith.constant 1 : i32
    scf.for %scan3A_44 = %scan3A_39 to %scan3A_41 step %scan3A_42  : i32 {
      %mul3A_45 = arith.constant 1 : i32
      %mul3A_46 = arith.muli %scan3A_44, %mul3A_45 : i32
      %add3A_47 = arith.constant 0 : i32
      %add3A_48 = arith.addi %add3A_47, %mul3A_46 : i32
      %mul3A_49 = arith.constant 16 : i32
      %mul3A_50 = arith.muli %add3A_48, %mul3A_49 : i32
      %add3A_51 = arith.addi %arg1, %mul3A_50 : i32
      %lt3A = arith.constant 250 : i32
      %lt3A_52 = arith.cmpi slt, %add3A_51, %lt3A : i32
      %convert_element_type3A = arith.extui %lt3A_52 : i1 to i32
      %cond3A = arith.constant 0 : i32
      %cond3A_53 = arith.cmpi ne, %convert_element_type3A, %cond3A : i32
      scf.if %cond3A_53 {
        %mul3A_54 = arith.constant 40 : i32
        %mul3A_55 = arith.muli %add3A_51, %mul3A_54 : i32
        %multiple_of3A = tpu.assume_multiple %mul3A_55, 8 : i32
        "tpu.region"() ({
          %run_scoped3A = tpu.sem_alloc : memref<!tpu.dma_semaphore, #tpu.memory_space<semaphore_mem>>
          %dma_start3A_56 = arith.constant 0 : i32
          %dma_start3A_57 = tpu.memref_slice %arg12[%multiple_of3A, %dma_start3A_56] : memref<10000x128xf32, #tpu.memory_space<vmem_shared>> -> memref<40x128xf32, #tpu.memory_space<vmem_shared>>
          %dma_start3A_58 = arith.constant 0 : i32
          %dma_start3A_59 = tpu.memref_slice %arg12[%multiple_of3A, %dma_start3A_58] : memref<10000x128xf32, #tpu.memory_space<vmem_shared>> -> memref<40x128xf32, #tpu.memory_space<vmem_shared>>
          tpu.enqueue_dma source(%dma_start3A_59 : memref<40x128xf32, #tpu.memory_space<vmem_shared>>) target(%arg10 : memref<40x128xf32, #tpu.memory_space<vmem>>) target_semaphore(%run_scoped3A : memref<!tpu.dma_semaphore, #tpu.memory_space<semaphore_mem>>)
          %dma_wait3A_60 = arith.constant 0 : i32
          %dma_wait3A_61 = tpu.memref_slice %arg12[%multiple_of3A, %dma_wait3A_60] : memref<10000x128xf32, #tpu.memory_space<vmem_shared>> -> memref<40x128xf32, #tpu.memory_space<vmem_shared>>
          %dma_wait3A_62 = arith.constant 0 : i32
          %dma_wait3A_63 = tpu.memref_slice %arg12[%multiple_of3A, %dma_wait3A_62] : memref<10000x128xf32, #tpu.memory_space<vmem_shared>> -> memref<40x128xf32, #tpu.memory_space<vmem_shared>>
          tpu.wait_dma2 semaphore(%run_scoped3A : memref<!tpu.dma_semaphore, #tpu.memory_space<semaphore_mem>>) src(%dma_wait3A_63 : memref<40x128xf32, #tpu.memory_space<vmem_shared>>) dst(%arg10 : memref<40x128xf32, #tpu.memory_space<vmem>>)
          tpu.yield
        }) : () -> ()
        "tpu.region"() ({
          %run_scoped3A = tpu.sem_alloc : memref<!tpu.dma_semaphore, #tpu.memory_space<semaphore_mem>>
          %dma_start3A_56 = arith.constant 0 : i32
          %dma_start3A_57 = tpu.memref_slice %arg5[%arg0, %multiple_of3A, %dma_start3A_56] : memref<2x10000x128xf32, #tpu.memory_space<hbm>> -> memref<1x40x128xf32, #tpu.memory_space<hbm>>
          %dma_start3A_58 = tpu.memref_squeeze %dma_start3A_57 : memref<1x40x128xf32, #tpu.memory_space<hbm>> -> memref<40x128xf32, #tpu.memory_space<hbm>>
          %dma_start3A_59 = arith.constant 0 : i32
          %dma_start3A_60 = tpu.memref_slice %arg5[%arg0, %multiple_of3A, %dma_start3A_59] : memref<2x10000x128xf32, #tpu.memory_space<hbm>> -> memref<1x40x128xf32, #tpu.memory_space<hbm>>
          %dma_start3A_61 = tpu.memref_squeeze %dma_start3A_60 : memref<1x40x128xf32, #tpu.memory_space<hbm>> -> memref<40x128xf32, #tpu.memory_space<hbm>>
          tpu.enqueue_dma source(%arg10 : memref<40x128xf32, #tpu.memory_space<vmem>>) target(%dma_start3A_61 : memref<40x128xf32, #tpu.memory_space<hbm>>) target_semaphore(%run_scoped3A : memref<!tpu.dma_semaphore, #tpu.memory_space<semaphore_mem>>)
          %dma_wait3A_62 = arith.constant 0 : i32
          %dma_wait3A_63 = tpu.memref_slice %arg5[%arg0, %multiple_of3A, %dma_wait3A_62] : memref<2x10000x128xf32, #tpu.memory_space<hbm>> -> memref<1x40x128xf32, #tpu.memory_space<hbm>>
          %dma_wait3A_64 = tpu.memref_squeeze %dma_wait3A_63 : memref<1x40x128xf32, #tpu.memory_space<hbm>> -> memref<40x128xf32, #tpu.memory_space<hbm>>
          %dma_wait3A_65 = arith.constant 0 : i32
          %dma_wait3A_66 = tpu.memref_slice %arg5[%arg0, %multiple_of3A, %dma_wait3A_65] : memref<2x10000x128xf32, #tpu.memory_space<hbm>> -> memref<1x40x128xf32, #tpu.memory_space<hbm>>
          %dma_wait3A_67 = tpu.memref_squeeze %dma_wait3A_66 : memref<1x40x128xf32, #tpu.memory_space<hbm>> -> memref<40x128xf32, #tpu.memory_space<hbm>>
          tpu.wait_dma2 semaphore(%run_scoped3A : memref<!tpu.dma_semaphore, #tpu.memory_space<semaphore_mem>>) src(%arg10 : memref<40x128xf32, #tpu.memory_space<vmem>>) dst(%dma_wait3A_67 : memref<40x128xf32, #tpu.memory_space<hbm>>)
          tpu.yield
        }) : () -> ()
      } else {
      }
    }
    %scan3A_43 = arith.constant 16 : i32
    return
  }
}

#map = affine_map<(d0, d1) -> (0, 0)>
#map1 = affine_map<(d0, d1) -> (0)>
#map2 = affine_map<(d0, d1) -> (0, 0, 0)>
module attributes {stable_mosaic.version = 14 : i64} {
  func.func @_agg_body(%arg0: i32, %arg1: i32, %arg2: memref<10000x128xf32, #tpu.memory_space<hbm>>, %arg3: memref<320000xi32, #tpu.memory_space<hbm>>, %arg4: memref<320000xi32, #tpu.memory_space<hbm>>, %arg5: memref<2x10000x128xf32, #tpu.memory_space<hbm>>, %arg6: memref<40xi32, #tpu.memory_space<vmem>>, %arg7: memref<40xi32, #tpu.memory_space<vmem>>, %arg8: memref<40xi32, #tpu.memory_space<vmem>>, %arg9: memref<40xi32, #tpu.memory_space<vmem>>, %arg10: memref<40x128xf32, #tpu.memory_space<vmem>>, %arg11: memref<40x128xf32, #tpu.memory_space<vmem>>, %arg12: memref<10000x128xf32, #tpu.memory_space<vmem_shared>>, %arg13: memref<!tpu.dma_semaphore, #tpu.memory_space<semaphore_mem>>, %arg14: memref<!tpu.dma_semaphore, #tpu.memory_space<semaphore_mem>>, %arg15: memref<!tpu.dma_semaphore, #tpu.memory_space<semaphore_mem>>, %arg16: memref<!tpu.dma_semaphore, #tpu.memory_space<semaphore_mem>>) attributes {dimension_semantics = [#tpu.dimension_semantics<core_parallel>, #tpu.dimension_semantics<subcore_parallel>], iteration_bounds = array<i64: 2, 16>, scalar_prefetch = 0 : i64, scratch_operands = 11 : i64, tpu.core_type = #tpu.core_type<sc_vector_subcore>, window_params = [{transform_indices = #map}, {transform_indices = #map1}, {transform_indices = #map1}, {transform_indices = #map2}]} {
    %mul3A = arith.constant 16 : i32
    %mul3A_0 = arith.muli %arg0, %mul3A : i32
    %add3A = arith.addi %mul3A_0, %arg1 : i32
    %mul3A_1 = arith.constant 250 : i32
    %mul3A_2 = arith.muli %add3A, %mul3A_1 : i32
    %scan3A = arith.constant 0 : i32
    %scan3A_3 = arith.constant 40 : i32
    %scan3A_4 = arith.addi %scan3A, %scan3A_3 : i32
    %scan3A_5 = arith.constant 1 : i32
    scf.for %scan3A_44 = %scan3A to %scan3A_4 step %scan3A_5  : i32 {
      %mul3A_45 = arith.constant 1 : i32
      %mul3A_46 = arith.muli %scan3A_44, %mul3A_45 : i32
      %add3A_47 = arith.constant 0 : i32
      %add3A_48 = arith.addi %add3A_47, %mul3A_46 : i32
      %scan3A_49 = arith.constant 0 : i32
      %scan3A_50 = arith.constant 8 : i32
      %scan3A_51 = arith.addi %scan3A_49, %scan3A_50 : i32
      %scan3A_52 = arith.constant 1 : i32
      scf.for %scan3A_54 = %scan3A_49 to %scan3A_51 step %scan3A_52  : i32 {
        %mul3A_55 = arith.constant 16 : i32
        %mul3A_56 = arith.muli %scan3A_54, %mul3A_55 : i32
        %add3A_57 = arith.constant 0 : i32
        %add3A_58 = arith.addi %add3A_57, %mul3A_56 : i32
        %broadcast_in_dim3A = arith.constant 0.000000e+00 : f32
        %broadcast_in_dim3A_59 = vector.broadcast %broadcast_in_dim3A : f32 to vector<16xf32>
        %swap3A = arith.index_cast %add3A_48 : i32 to index
        %swap3A_60 = arith.index_cast %add3A_58 : i32 to index
        %swap3A_61 = tpu.vector_load %arg10[%swap3A, %swap3A_60] {strides = array<i32>} : memref<40x128xf32, #tpu.memory_space<vmem>>, vector<1x16xf32>,
        %swap3A_62 = vector.shape_cast %swap3A_61 : vector<1x16xf32> to vector<16xf32>
        %swap3A_63 = vector.shape_cast %broadcast_in_dim3A_59 : vector<16xf32> to vector<1x16xf32>
        tpu.vector_store %arg10[%swap3A, %swap3A_60], %swap3A_63 {strides = array<i32>} : memref<40x128xf32, #tpu.memory_space<vmem>>, vector<1x16xf32>,
      }
      %scan3A_53 = arith.constant 8 : i32
    }
    %scan3A_6 = arith.constant 40 : i32
    %scan3A_7 = arith.constant 0 : i32
    %scan3A_8 = arith.constant 16 : i32
    %scan3A_9 = arith.addi %scan3A_7, %scan3A_8 : i32
    %scan3A_10 = arith.constant 1 : i32
    scf.for %scan3A_44 = %scan3A_7 to %scan3A_9 step %scan3A_10  : i32 {
      %mul3A_45 = arith.constant 1 : i32
      %mul3A_46 = arith.muli %scan3A_44, %mul3A_45 : i32
      %add3A_47 = arith.constant 0 : i32
      %add3A_48 = arith.addi %add3A_47, %mul3A_46 : i32
      %mul3A_49 = arith.constant 16 : i32
      %mul3A_50 = arith.muli %add3A_48, %mul3A_49 : i32
      %add3A_51 = arith.addi %arg1, %mul3A_50 : i32
      %lt3A = arith.constant 250 : i32
      %lt3A_52 = arith.cmpi slt, %add3A_51, %lt3A : i32
      %convert_element_type3A = arith.extui %lt3A_52 : i1 to i32
      %cond3A = arith.constant 0 : i32
      %cond3A_53 = arith.cmpi ne, %convert_element_type3A, %cond3A : i32
      scf.if %cond3A_53 {
        %mul3A_54 = arith.constant 40 : i32
        %mul3A_55 = arith.muli %add3A_51, %mul3A_54 : i32
        %multiple_of3A = tpu.assume_multiple %mul3A_55, 8 : i32
        "tpu.region"() ({
          %run_scoped3A = tpu.sem_alloc : memref<!tpu.dma_semaphore, #tpu.memory_space<semaphore_mem>>
          %dma_start3A_56 = arith.constant 0 : i32
          %dma_start3A_57 = tpu.memref_slice %arg12[%multiple_of3A, %dma_start3A_56] : memref<10000x128xf32, #tpu.memory_space<vmem_shared>> -> memref<40x128xf32, #tpu.memory_space<vmem_shared>>
          %dma_start3A_58 = arith.constant 0 : i32
          %dma_start3A_59 = tpu.memref_slice %arg12[%multiple_of3A, %dma_start3A_58] : memref<10000x128xf32, #tpu.memory_space<vmem_shared>> -> memref<40x128xf32, #tpu.memory_space<vmem_shared>>
          tpu.enqueue_dma source(%arg10 : memref<40x128xf32, #tpu.memory_space<vmem>>) target(%dma_start3A_59 : memref<40x128xf32, #tpu.memory_space<vmem_shared>>) target_semaphore(%run_scoped3A : memref<!tpu.dma_semaphore, #tpu.memory_space<semaphore_mem>>)
          %dma_wait3A_60 = arith.constant 0 : i32
          %dma_wait3A_61 = tpu.memref_slice %arg12[%multiple_of3A, %dma_wait3A_60] : memref<10000x128xf32, #tpu.memory_space<vmem_shared>> -> memref<40x128xf32, #tpu.memory_space<vmem_shared>>
          %dma_wait3A_62 = arith.constant 0 : i32
          %dma_wait3A_63 = tpu.memref_slice %arg12[%multiple_of3A, %dma_wait3A_62] : memref<10000x128xf32, #tpu.memory_space<vmem_shared>> -> memref<40x128xf32, #tpu.memory_space<vmem_shared>>
          tpu.wait_dma2 semaphore(%run_scoped3A : memref<!tpu.dma_semaphore, #tpu.memory_space<semaphore_mem>>) src(%arg10 : memref<40x128xf32, #tpu.memory_space<vmem>>) dst(%dma_wait3A_63 : memref<40x128xf32, #tpu.memory_space<vmem_shared>>)
          tpu.yield
        }) : () -> ()
      } else {
      }
    }
    %scan3A_11 = arith.constant 16 : i32
    %mul3A_12 = arith.constant 40 : i32
    %mul3A_13 = arith.muli %mul3A_2, %mul3A_12 : i32
    %dma_start3A = tpu.memref_slice %arg3[%mul3A_13] : memref<320000xi32, #tpu.memory_space<hbm>> -> memref<40xi32, #tpu.memory_space<hbm>>
    %dma_start3A_14 = tpu.memref_slice %arg3[%mul3A_13] : memref<320000xi32, #tpu.memory_space<hbm>> -> memref<40xi32, #tpu.memory_space<hbm>>
    tpu.enqueue_dma source(%dma_start3A_14 : memref<40xi32, #tpu.memory_space<hbm>>) target(%arg6 : memref<40xi32, #tpu.memory_space<vmem>>) target_semaphore(%arg13 : memref<!tpu.dma_semaphore, #tpu.memory_space<semaphore_mem>>)
    %dma_start3A_15 = tpu.memref_slice %arg4[%mul3A_13] : memref<320000xi32, #tpu.memory_space<hbm>> -> memref<40xi32, #tpu.memory_space<hbm>>
    %dma_start3A_16 = tpu.memref_slice %arg4[%mul3A_13] : memref<320000xi32, #tpu.memory_space<hbm>> -> memref<40xi32, #tpu.memory_space<hbm>>
    tpu.enqueue_dma source(%dma_start3A_16 : memref<40xi32, #tpu.memory_space<hbm>>) target(%arg7 : memref<40xi32, #tpu.memory_space<vmem>>) target_semaphore(%arg13 : memref<!tpu.dma_semaphore, #tpu.memory_space<semaphore_mem>>)
    %add3A_17 = arith.constant 1 : i32
    %add3A_18 = arith.addi %mul3A_2, %add3A_17 : i32
    %mul3A_19 = arith.constant 40 : i32
    %mul3A_20 = arith.muli %add3A_18, %mul3A_19 : i32
    %dma_start3A_21 = tpu.memref_slice %arg3[%mul3A_20] : memref<320000xi32, #tpu.memory_space<hbm>> -> memref<40xi32, #tpu.memory_space<hbm>>
    %dma_start3A_22 = tpu.memref_slice %arg3[%mul3A_20] : memref<320000xi32, #tpu.memory_space<hbm>> -> memref<40xi32, #tpu.memory_space<hbm>>
    tpu.enqueue_dma source(%dma_start3A_22 : memref<40xi32, #tpu.memory_space<hbm>>) target(%arg8 : memref<40xi32, #tpu.memory_space<vmem>>) target_semaphore(%arg14 : memref<!tpu.dma_semaphore, #tpu.memory_space<semaphore_mem>>)
    %dma_start3A_23 = tpu.memref_slice %arg4[%mul3A_20] : memref<320000xi32, #tpu.memory_space<hbm>> -> memref<40xi32, #tpu.memory_space<hbm>>
    %dma_start3A_24 = tpu.memref_slice %arg4[%mul3A_20] : memref<320000xi32, #tpu.memory_space<hbm>> -> memref<40xi32, #tpu.memory_space<hbm>>
    tpu.enqueue_dma source(%dma_start3A_24 : memref<40xi32, #tpu.memory_space<hbm>>) target(%arg9 : memref<40xi32, #tpu.memory_space<vmem>>) target_semaphore(%arg14 : memref<!tpu.dma_semaphore, #tpu.memory_space<semaphore_mem>>)
    %barrier3A = arith.constant 0 : index
    tpu.barrier barrier_id(%barrier3A)
    %mul3A_25 = arith.constant 40 : i32
    %mul3A_26 = arith.muli %mul3A_2, %mul3A_25 : i32
    %dma_wait3A = tpu.memref_slice %arg3[%mul3A_26] : memref<320000xi32, #tpu.memory_space<hbm>> -> memref<40xi32, #tpu.memory_space<hbm>>
    %dma_wait3A_27 = tpu.memref_slice %arg3[%mul3A_26] : memref<320000xi32, #tpu.memory_space<hbm>> -> memref<40xi32, #tpu.memory_space<hbm>>
    tpu.wait_dma2 semaphore(%arg13 : memref<!tpu.dma_semaphore, #tpu.memory_space<semaphore_mem>>) src(%dma_wait3A_27 : memref<40xi32, #tpu.memory_space<hbm>>) dst(%arg6 : memref<40xi32, #tpu.memory_space<vmem>>)
    %dma_wait3A_28 = tpu.memref_slice %arg4[%mul3A_26] : memref<320000xi32, #tpu.memory_space<hbm>> -> memref<40xi32, #tpu.memory_space<hbm>>
    %dma_wait3A_29 = tpu.memref_slice %arg4[%mul3A_26] : memref<320000xi32, #tpu.memory_space<hbm>> -> memref<40xi32, #tpu.memory_space<hbm>>
    tpu.wait_dma2 semaphore(%arg13 : memref<!tpu.dma_semaphore, #tpu.memory_space<semaphore_mem>>) src(%dma_wait3A_29 : memref<40xi32, #tpu.memory_space<hbm>>) dst(%arg7 : memref<40xi32, #tpu.memory_space<vmem>>)
    %dma_start3A_30 = arith.constant 0 : i32
    %dma_start3A_31 = arith.constant 0 : i32
    %dma_start3A_32 = tpu.memref_slice %arg2[%dma_start3A_30, %dma_start3A_31] : memref<10000x128xf32, #tpu.memory_space<hbm>> -> memref<10000x128xf32, #tpu.memory_space<hbm>>
    tpu.enqueue_indirect_dma source(%dma_start3A_32 : memref<10000x128xf32, #tpu.memory_space<hbm>>) target(%arg10 : memref<40x128xf32, #tpu.memory_space<vmem>>) offsets(%arg6 : memref<40xi32, #tpu.memory_space<vmem>>) semaphore(%arg15 : memref<!tpu.dma_semaphore, #tpu.memory_space<semaphore_mem>>)
    %scan3A_33 = arith.constant 0 : i32
    %scan3A_34 = arith.constant 125 : i32
    %scan3A_35 = arith.addi %scan3A_33, %scan3A_34 : i32
    %scan3A_36 = arith.constant 1 : i32
    scf.for %scan3A_44 = %scan3A_33 to %scan3A_35 step %scan3A_36  : i32 {
      %mul3A_45 = arith.constant 1 : i32
      %mul3A_46 = arith.muli %scan3A_44, %mul3A_45 : i32
      %add3A_47 = arith.constant 0 : i32
      %add3A_48 = arith.addi %add3A_47, %mul3A_46 : i32
      %mul3A_49 = arith.constant 2 : i32
      %mul3A_50 = arith.muli %add3A_48, %mul3A_49 : i32
      %dma_wait3A_51 = arith.constant 0 : i32
      %dma_wait3A_52 = arith.constant 0 : i32
      %dma_wait3A_53 = tpu.memref_slice %arg2[%dma_wait3A_51, %dma_wait3A_52] : memref<10000x128xf32, #tpu.memory_space<hbm>> -> memref<10000x128xf32, #tpu.memory_space<hbm>>
      tpu.wait_indirect_dma semaphore(%arg15 : memref<!tpu.dma_semaphore, #tpu.memory_space<semaphore_mem>>) src(%dma_wait3A_53 : memref<10000x128xf32, #tpu.memory_space<hbm>>) dst(%arg10 : memref<40x128xf32, #tpu.memory_space<vmem>>)
      "tpu.region"() ({
        %run_scoped3A = tpu.sem_alloc : memref<!tpu.dma_semaphore, #tpu.memory_space<semaphore_mem>>
        %dma_start3A_86 = arith.constant 0 : i32
        %dma_start3A_87 = arith.constant 0 : i32
        %dma_start3A_88 = tpu.memref_slice %arg12[%dma_start3A_86, %dma_start3A_87] : memref<10000x128xf32, #tpu.memory_space<vmem_shared>> -> memref<10000x128xf32, #tpu.memory_space<vmem_shared>>
        tpu.enqueue_indirect_dma source(%arg10 : memref<40x128xf32, #tpu.memory_space<vmem>>) target(%dma_start3A_88 : memref<10000x128xf32, #tpu.memory_space<vmem_shared>>) offsets(%arg7 : memref<40xi32, #tpu.memory_space<vmem>>) semaphore(%run_scoped3A : memref<!tpu.dma_semaphore, #tpu.memory_space<semaphore_mem>>) {add = true}
        %dma_wait3A_89 = arith.constant 0 : i32
        %dma_wait3A_90 = arith.constant 0 : i32
        %dma_wait3A_91 = tpu.memref_slice %arg12[%dma_wait3A_89, %dma_wait3A_90] : memref<10000x128xf32, #tpu.memory_space<vmem_shared>> -> memref<10000x128xf32, #tpu.memory_space<vmem_shared>>
        tpu.wait_indirect_dma semaphore(%run_scoped3A : memref<!tpu.dma_semaphore, #tpu.memory_space<semaphore_mem>>) src(%arg10 : memref<40x128xf32, #tpu.memory_space<vmem>>) dst(%dma_wait3A_91 : memref<10000x128xf32, #tpu.memory_space<vmem_shared>>)
        tpu.yield
      }) : () -> ()
      %add3A_54 = arith.constant 2 : i32
      %add3A_55 = arith.addi %mul3A_50, %add3A_54 : i32
      %lt3A = arith.constant 250 : i32
      %lt3A_56 = arith.cmpi slt, %add3A_55, %lt3A : i32
      %convert_element_type3A = arith.extui %lt3A_56 : i1 to i32
      %cond3A = arith.constant 0 : i32
      %cond3A_57 = arith.cmpi ne, %convert_element_type3A, %cond3A : i32
      scf.if %cond3A_57 {
        %add3A_86 = arith.addi %mul3A_2, %mul3A_50 : i32
        %add3A_87 = arith.constant 2 : i32
        %add3A_88 = arith.addi %add3A_86, %add3A_87 : i32
        %mul3A_89 = arith.constant 40 : i32
        %mul3A_90 = arith.muli %add3A_88, %mul3A_89 : i32
        %dma_start3A_91 = tpu.memref_slice %arg3[%mul3A_90] : memref<320000xi32, #tpu.memory_space<hbm>> -> memref<40xi32, #tpu.memory_space<hbm>>
        %dma_start3A_92 = tpu.memref_slice %arg3[%mul3A_90] : memref<320000xi32, #tpu.memory_space<hbm>> -> memref<40xi32, #tpu.memory_space<hbm>>
        tpu.enqueue_dma source(%dma_start3A_92 : memref<40xi32, #tpu.memory_space<hbm>>) target(%arg6 : memref<40xi32, #tpu.memory_space<vmem>>) target_semaphore(%arg13 : memref<!tpu.dma_semaphore, #tpu.memory_space<semaphore_mem>>)
        %dma_start3A_93 = tpu.memref_slice %arg4[%mul3A_90] : memref<320000xi32, #tpu.memory_space<hbm>> -> memref<40xi32, #tpu.memory_space<hbm>>
        %dma_start3A_94 = tpu.memref_slice %arg4[%mul3A_90] : memref<320000xi32, #tpu.memory_space<hbm>> -> memref<40xi32, #tpu.memory_space<hbm>>
        tpu.enqueue_dma source(%dma_start3A_94 : memref<40xi32, #tpu.memory_space<hbm>>) target(%arg7 : memref<40xi32, #tpu.memory_space<vmem>>) target_semaphore(%arg13 : memref<!tpu.dma_semaphore, #tpu.memory_space<semaphore_mem>>)
      } else {
      }
      %add3A_58 = arith.constant 1 : i32
      %add3A_59 = arith.addi %mul3A_50, %add3A_58 : i32
      %lt3A_60 = arith.constant 250 : i32
      %lt3A_61 = arith.cmpi slt, %add3A_59, %lt3A_60 : i32
      %convert_element_type3A_62 = arith.extui %lt3A_61 : i1 to i32
      %cond3A_63 = arith.constant 0 : i32
      %cond3A_64 = arith.cmpi ne, %convert_element_type3A_62, %cond3A_63 : i32
      scf.if %cond3A_64 {
        %add3A_86 = arith.addi %mul3A_2, %mul3A_50 : i32
        %add3A_87 = arith.constant 1 : i32
        %add3A_88 = arith.addi %add3A_86, %add3A_87 : i32
        %mul3A_89 = arith.constant 40 : i32
        %mul3A_90 = arith.muli %add3A_88, %mul3A_89 : i32
        %dma_wait3A_91 = tpu.memref_slice %arg3[%mul3A_90] : memref<320000xi32, #tpu.memory_space<hbm>> -> memref<40xi32, #tpu.memory_space<hbm>>
        %dma_wait3A_92 = tpu.memref_slice %arg3[%mul3A_90] : memref<320000xi32, #tpu.memory_space<hbm>> -> memref<40xi32, #tpu.memory_space<hbm>>
        tpu.wait_dma2 semaphore(%arg14 : memref<!tpu.dma_semaphore, #tpu.memory_space<semaphore_mem>>) src(%dma_wait3A_92 : memref<40xi32, #tpu.memory_space<hbm>>) dst(%arg8 : memref<40xi32, #tpu.memory_space<vmem>>)
        %dma_wait3A_93 = tpu.memref_slice %arg4[%mul3A_90] : memref<320000xi32, #tpu.memory_space<hbm>> -> memref<40xi32, #tpu.memory_space<hbm>>
        %dma_wait3A_94 = tpu.memref_slice %arg4[%mul3A_90] : memref<320000xi32, #tpu.memory_space<hbm>> -> memref<40xi32, #tpu.memory_space<hbm>>
        tpu.wait_dma2 semaphore(%arg14 : memref<!tpu.dma_semaphore, #tpu.memory_space<semaphore_mem>>) src(%dma_wait3A_94 : memref<40xi32, #tpu.memory_space<hbm>>) dst(%arg9 : memref<40xi32, #tpu.memory_space<vmem>>)
        %dma_start3A_95 = arith.constant 0 : i32
        %dma_start3A_96 = arith.constant 0 : i32
        %dma_start3A_97 = tpu.memref_slice %arg2[%dma_start3A_95, %dma_start3A_96] : memref<10000x128xf32, #tpu.memory_space<hbm>> -> memref<10000x128xf32, #tpu.memory_space<hbm>>
        tpu.enqueue_indirect_dma source(%dma_start3A_97 : memref<10000x128xf32, #tpu.memory_space<hbm>>) target(%arg11 : memref<40x128xf32, #tpu.memory_space<vmem>>) offsets(%arg8 : memref<40xi32, #tpu.memory_space<vmem>>) semaphore(%arg16 : memref<!tpu.dma_semaphore, #tpu.memory_space<semaphore_mem>>)
      } else {
      }
      %mul3A_65 = arith.constant 2 : i32
      %mul3A_66 = arith.muli %add3A_48, %mul3A_65 : i32
      %add3A_67 = arith.constant 1 : i32
      %add3A_68 = arith.addi %mul3A_66, %add3A_67 : i32
      %dma_wait3A_69 = arith.constant 0 : i32
      %dma_wait3A_70 = arith.constant 0 : i32
      %dma_wait3A_71 = tpu.memref_slice %arg2[%dma_wait3A_69, %dma_wait3A_70] : memref<10000x128xf32, #tpu.memory_space<hbm>> -> memref<10000x128xf32, #tpu.memory_space<hbm>>
      tpu.wait_indirect_dma semaphore(%arg16 : memref<!tpu.dma_semaphore, #tpu.memory_space<semaphore_mem>>) src(%dma_wait3A_71 : memref<10000x128xf32, #tpu.memory_space<hbm>>) dst(%arg11 : memref<40x128xf32, #tpu.memory_space<vmem>>)
      "tpu.region"() ({
        %run_scoped3A = tpu.sem_alloc : memref<!tpu.dma_semaphore, #tpu.memory_space<semaphore_mem>>
        %dma_start3A_86 = arith.constant 0 : i32
        %dma_start3A_87 = arith.constant 0 : i32
        %dma_start3A_88 = tpu.memref_slice %arg12[%dma_start3A_86, %dma_start3A_87] : memref<10000x128xf32, #tpu.memory_space<vmem_shared>> -> memref<10000x128xf32, #tpu.memory_space<vmem_shared>>
        tpu.enqueue_indirect_dma source(%arg11 : memref<40x128xf32, #tpu.memory_space<vmem>>) target(%dma_start3A_88 : memref<10000x128xf32, #tpu.memory_space<vmem_shared>>) offsets(%arg9 : memref<40xi32, #tpu.memory_space<vmem>>) semaphore(%run_scoped3A : memref<!tpu.dma_semaphore, #tpu.memory_space<semaphore_mem>>) {add = true}
        %dma_wait3A_89 = arith.constant 0 : i32
        %dma_wait3A_90 = arith.constant 0 : i32
        %dma_wait3A_91 = tpu.memref_slice %arg12[%dma_wait3A_89, %dma_wait3A_90] : memref<10000x128xf32, #tpu.memory_space<vmem_shared>> -> memref<10000x128xf32, #tpu.memory_space<vmem_shared>>
        tpu.wait_indirect_dma semaphore(%run_scoped3A : memref<!tpu.dma_semaphore, #tpu.memory_space<semaphore_mem>>) src(%arg11 : memref<40x128xf32, #tpu.memory_space<vmem>>) dst(%dma_wait3A_91 : memref<10000x128xf32, #tpu.memory_space<vmem_shared>>)
        tpu.yield
      }) : () -> ()
      %add3A_72 = arith.constant 2 : i32
      %add3A_73 = arith.addi %add3A_68, %add3A_72 : i32
      %lt3A_74 = arith.constant 250 : i32
      %lt3A_75 = arith.cmpi slt, %add3A_73, %lt3A_74 : i32
      %convert_element_type3A_76 = arith.extui %lt3A_75 : i1 to i32
      %cond3A_77 = arith.constant 0 : i32
      %cond3A_78 = arith.cmpi ne, %convert_element_type3A_76, %cond3A_77 : i32
      scf.if %cond3A_78 {
        %add3A_86 = arith.addi %mul3A_2, %add3A_68 : i32
        %add3A_87 = arith.constant 2 : i32
        %add3A_88 = arith.addi %add3A_86, %add3A_87 : i32
        %mul3A_89 = arith.constant 40 : i32
        %mul3A_90 = arith.muli %add3A_88, %mul3A_89 : i32
        %dma_start3A_91 = tpu.memref_slice %arg3[%mul3A_90] : memref<320000xi32, #tpu.memory_space<hbm>> -> memref<40xi32, #tpu.memory_space<hbm>>
        %dma_start3A_92 = tpu.memref_slice %arg3[%mul3A_90] : memref<320000xi32, #tpu.memory_space<hbm>> -> memref<40xi32, #tpu.memory_space<hbm>>
        tpu.enqueue_dma source(%dma_start3A_92 : memref<40xi32, #tpu.memory_space<hbm>>) target(%arg8 : memref<40xi32, #tpu.memory_space<vmem>>) target_semaphore(%arg14 : memref<!tpu.dma_semaphore, #tpu.memory_space<semaphore_mem>>)
        %dma_start3A_93 = tpu.memref_slice %arg4[%mul3A_90] : memref<320000xi32, #tpu.memory_space<hbm>> -> memref<40xi32, #tpu.memory_space<hbm>>
        %dma_start3A_94 = tpu.memref_slice %arg4[%mul3A_90] : memref<320000xi32, #tpu.memory_space<hbm>> -> memref<40xi32, #tpu.memory_space<hbm>>
        tpu.enqueue_dma source(%dma_start3A_94 : memref<40xi32, #tpu.memory_space<hbm>>) target(%arg9 : memref<40xi32, #tpu.memory_space<vmem>>) target_semaphore(%arg14 : memref<!tpu.dma_semaphore, #tpu.memory_space<semaphore_mem>>)
      } else {
      }
      %add3A_79 = arith.constant 1 : i32
      %add3A_80 = arith.addi %add3A_68, %add3A_79 : i32
      %lt3A_81 = arith.constant 250 : i32
      %lt3A_82 = arith.cmpi slt, %add3A_80, %lt3A_81 : i32
      %convert_element_type3A_83 = arith.extui %lt3A_82 : i1 to i32
      %cond3A_84 = arith.constant 0 : i32
      %cond3A_85 = arith.cmpi ne, %convert_element_type3A_83, %cond3A_84 : i32
      scf.if %cond3A_85 {
        %add3A_86 = arith.addi %mul3A_2, %add3A_68 : i32
        %add3A_87 = arith.constant 1 : i32
        %add3A_88 = arith.addi %add3A_86, %add3A_87 : i32
        %mul3A_89 = arith.constant 40 : i32
        %mul3A_90 = arith.muli %add3A_88, %mul3A_89 : i32
        %dma_wait3A_91 = tpu.memref_slice %arg3[%mul3A_90] : memref<320000xi32, #tpu.memory_space<hbm>> -> memref<40xi32, #tpu.memory_space<hbm>>
        %dma_wait3A_92 = tpu.memref_slice %arg3[%mul3A_90] : memref<320000xi32, #tpu.memory_space<hbm>> -> memref<40xi32, #tpu.memory_space<hbm>>
        tpu.wait_dma2 semaphore(%arg13 : memref<!tpu.dma_semaphore, #tpu.memory_space<semaphore_mem>>) src(%dma_wait3A_92 : memref<40xi32, #tpu.memory_space<hbm>>) dst(%arg6 : memref<40xi32, #tpu.memory_space<vmem>>)
        %dma_wait3A_93 = tpu.memref_slice %arg4[%mul3A_90] : memref<320000xi32, #tpu.memory_space<hbm>> -> memref<40xi32, #tpu.memory_space<hbm>>
        %dma_wait3A_94 = tpu.memref_slice %arg4[%mul3A_90] : memref<320000xi32, #tpu.memory_space<hbm>> -> memref<40xi32, #tpu.memory_space<hbm>>
        tpu.wait_dma2 semaphore(%arg13 : memref<!tpu.dma_semaphore, #tpu.memory_space<semaphore_mem>>) src(%dma_wait3A_94 : memref<40xi32, #tpu.memory_space<hbm>>) dst(%arg7 : memref<40xi32, #tpu.memory_space<vmem>>)
        %dma_start3A_95 = arith.constant 0 : i32
        %dma_start3A_96 = arith.constant 0 : i32
        %dma_start3A_97 = tpu.memref_slice %arg2[%dma_start3A_95, %dma_start3A_96] : memref<10000x128xf32, #tpu.memory_space<hbm>> -> memref<10000x128xf32, #tpu.memory_space<hbm>>
        tpu.enqueue_indirect_dma source(%dma_start3A_97 : memref<10000x128xf32, #tpu.memory_space<hbm>>) target(%arg10 : memref<40x128xf32, #tpu.memory_space<vmem>>) offsets(%arg6 : memref<40xi32, #tpu.memory_space<vmem>>) semaphore(%arg15 : memref<!tpu.dma_semaphore, #tpu.memory_space<semaphore_mem>>)
      } else {
      }
    }
    %scan3A_37 = arith.constant 125 : i32
    %barrier3A_38 = arith.constant 0 : index
    tpu.barrier barrier_id(%barrier3A_38)
    %scan3A_39 = arith.constant 0 : i32
    %scan3A_40 = arith.constant 16 : i32
    %scan3A_41 = arith.addi %scan3A_39, %scan3A_40 : i32
    %scan3A_42 = arith.constant 1 : i32
    scf.for %scan3A_44 = %scan3A_39 to %scan3A_41 step %scan3A_42  : i32 {
      %mul3A_45 = arith.constant 1 : i32
      %mul3A_46 = arith.muli %scan3A_44, %mul3A_45 : i32
      %add3A_47 = arith.constant 0 : i32
      %add3A_48 = arith.addi %add3A_47, %mul3A_46 : i32
      %mul3A_49 = arith.constant 16 : i32
      %mul3A_50 = arith.muli %add3A_48, %mul3A_49 : i32
      %add3A_51 = arith.addi %arg1, %mul3A_50 : i32
      %lt3A = arith.constant 250 : i32
      %lt3A_52 = arith.cmpi slt, %add3A_51, %lt3A : i32
      %convert_element_type3A = arith.extui %lt3A_52 : i1 to i32
      %cond3A = arith.constant 0 : i32
      %cond3A_53 = arith.cmpi ne, %convert_element_type3A, %cond3A : i32
      scf.if %cond3A_53 {
        %mul3A_54 = arith.constant 40 : i32
        %mul3A_55 = arith.muli %add3A_51, %mul3A_54 : i32
        %multiple_of3A = tpu.assume_multiple %mul3A_55, 8 : i32
        "tpu.region"() ({
          %run_scoped3A = tpu.sem_alloc : memref<!tpu.dma_semaphore, #tpu.memory_space<semaphore_mem>>
          %dma_start3A_56 = arith.constant 0 : i32
          %dma_start3A_57 = tpu.memref_slice %arg12[%multiple_of3A, %dma_start3A_56] : memref<10000x128xf32, #tpu.memory_space<vmem_shared>> -> memref<40x128xf32, #tpu.memory_space<vmem_shared>>
          %dma_start3A_58 = arith.constant 0 : i32
          %dma_start3A_59 = tpu.memref_slice %arg12[%multiple_of3A, %dma_start3A_58] : memref<10000x128xf32, #tpu.memory_space<vmem_shared>> -> memref<40x128xf32, #tpu.memory_space<vmem_shared>>
          tpu.enqueue_dma source(%dma_start3A_59 : memref<40x128xf32, #tpu.memory_space<vmem_shared>>) target(%arg10 : memref<40x128xf32, #tpu.memory_space<vmem>>) target_semaphore(%run_scoped3A : memref<!tpu.dma_semaphore, #tpu.memory_space<semaphore_mem>>)
          %dma_wait3A_60 = arith.constant 0 : i32
          %dma_wait3A_61 = tpu.memref_slice %arg12[%multiple_of3A, %dma_wait3A_60] : memref<10000x128xf32, #tpu.memory_space<vmem_shared>> -> memref<40x128xf32, #tpu.memory_space<vmem_shared>>
          %dma_wait3A_62 = arith.constant 0 : i32
          %dma_wait3A_63 = tpu.memref_slice %arg12[%multiple_of3A, %dma_wait3A_62] : memref<10000x128xf32, #tpu.memory_space<vmem_shared>> -> memref<40x128xf32, #tpu.memory_space<vmem_shared>>
          tpu.wait_dma2 semaphore(%run_scoped3A : memref<!tpu.dma_semaphore, #tpu.memory_space<semaphore_mem>>) src(%dma_wait3A_63 : memref<40x128xf32, #tpu.memory_space<vmem_shared>>) dst(%arg10 : memref<40x128xf32, #tpu.memory_space<vmem>>)
          tpu.yield
        }) : () -> ()
        "tpu.region"() ({
          %run_scoped3A = tpu.sem_alloc : memref<!tpu.dma_semaphore, #tpu.memory_space<semaphore_mem>>
          %dma_start3A_56 = arith.constant 0 : i32
          %dma_start3A_57 = tpu.memref_slice %arg5[%arg0, %multiple_of3A, %dma_start3A_56] : memref<2x10000x128xf32, #tpu.memory_space<hbm>> -> memref<1x40x128xf32, #tpu.memory_space<hbm>>
          %dma_start3A_58 = tpu.memref_squeeze %dma_start3A_57 : memref<1x40x128xf32, #tpu.memory_space<hbm>> -> memref<40x128xf32, #tpu.memory_space<hbm>>
          %dma_start3A_59 = arith.constant 0 : i32
          %dma_start3A_60 = tpu.memref_slice %arg5[%arg0, %multiple_of3A, %dma_start3A_59] : memref<2x10000x128xf32, #tpu.memory_space<hbm>> -> memref<1x40x128xf32, #tpu.memory_space<hbm>>
          %dma_start3A_61 = tpu.memref_squeeze %dma_start3A_60 : memref<1x40x128xf32, #tpu.memory_space<hbm>> -> memref<40x128xf32, #tpu.memory_space<hbm>>
          tpu.enqueue_dma source(%arg10 : memref<40x128xf32, #tpu.memory_space<vmem>>) target(%dma_start3A_61 : memref<40x128xf32, #tpu.memory_space<hbm>>) target_semaphore(%run_scoped3A : memref<!tpu.dma_semaphore, #tpu.memory_space<semaphore_mem>>)
          %dma_wait3A_62 = arith.constant 0 : i32
          %dma_wait3A_63 = tpu.memref_slice %arg5[%arg0, %multiple_of3A, %dma_wait3A_62] : memref<2x10000x128xf32, #tpu.memory_space<hbm>> -> memref<1x40x128xf32, #tpu.memory_space<hbm>>
          %dma_wait3A_64 = tpu.memref_squeeze %dma_wait3A_63 : memref<1x40x128xf32, #tpu.memory_space<hbm>> -> memref<40x128xf32, #tpu.memory_space<hbm>>
          %dma_wait3A_65 = arith.constant 0 : i32
          %dma_wait3A_66 = tpu.memref_slice %arg5[%arg0, %multiple_of3A, %dma_wait3A_65] : memref<2x10000x128xf32, #tpu.memory_space<hbm>> -> memref<1x40x128xf32, #tpu.memory_space<hbm>>
          %dma_wait3A_67 = tpu.memref_squeeze %dma_wait3A_66 : memref<1x40x128xf32, #tpu.memory_space<hbm>> -> memref<40x128xf32, #tpu.memory_space<hbm>>
          tpu.wait_dma2 semaphore(%run_scoped3A : memref<!tpu.dma_semaphore, #tpu.memory_space<semaphore_mem>>) src(%arg10 : memref<40x128xf32, #tpu.memory_space<vmem>>) dst(%dma_wait3A_67 : memref<40x128xf32, #tpu.memory_space<hbm>>)
          tpu.yield
        }) : () -> ()
      } else {
      }
    }
    %scan3A_43 = arith.constant 16 : i32
    return
  }
}

module attributes {stable_mosaic.version = 14 : i64} {
  func.func @_layer2_body(%arg0: i32, %arg1: memref<2x1000x128xf32, #tpu.memory_space<vmem>>, %arg2: memref<2x1000x16xf32, #tpu.memory_space<vmem>>, %arg3: memref<2x1000x16xf32, #tpu.memory_space<vmem>>, %arg4: memref<1x128xf32, #tpu.memory_space<vmem>>, %arg5: memref<128x128xf32, #tpu.memory_space<vmem>>, %arg6: memref<1000x128xf32, #tpu.memory_space<vmem>>) attributes {dimension_semantics = [#tpu.dimension_semantics<arbitrary>], iteration_bounds = array<i64: 10>, scalar_prefetch = 0 : i64, scratch_operands = 0 : i64, tpu.core_type = #tpu.core_type<tc>, window_params = [{transform_indices = @transform_0, window_bounds = array<i64: 2, 1000, 128>}, {transform_indices = @transform_1, window_bounds = array<i64: 2, 1000, 16>}, {transform_indices = @transform_2, window_bounds = array<i64: 2, 1000, 16>}, {pipeline_mode = #tpu.pipeline_mode<synchronous>, transform_indices = @transform_3, window_bounds = array<i64: 1, 128>}, {pipeline_mode = #tpu.pipeline_mode<synchronous>, transform_indices = @transform_4, window_bounds = array<i64: 128, 128>}, {transform_indices = @transform_5, window_bounds = array<i64: 1000, 128>}]} {
    %get3A = arith.constant 0 : index
    %get3A_0 = arith.constant 0 : index
    %get3A_1 = arith.constant 0 : index
    %get3A_2 = vector.load %arg2[%get3A, %get3A_0, %get3A_1] : memref<2x1000x16xf32, #tpu.memory_space<vmem>>, vector<1x1000x16xf32>
    %get3A_3 = vector.shape_cast %get3A_2 : vector<1x1000x16xf32> to vector<1000x16xf32>
    %get3A_4 = arith.constant 1 : index
    %get3A_5 = arith.constant 0 : index
    %get3A_6 = arith.constant 0 : index
    %get3A_7 = vector.load %arg2[%get3A_4, %get3A_5, %get3A_6] : memref<2x1000x16xf32, #tpu.memory_space<vmem>>, vector<1x1000x16xf32>
    %get3A_8 = vector.shape_cast %get3A_7 : vector<1x1000x16xf32> to vector<1000x16xf32>
    %add3A = arith.addf %get3A_3, %get3A_8 : vector<1000x16xf32>
    %jit3A = arith.constant 1.000000e+00 : f32
    %max3A = vector.broadcast %jit3A : f32 to vector<1000x16xf32>
    %max3A_9 = arith.maximumf %max3A, %add3A : vector<1000x16xf32>
    %rsqrt3A = math.rsqrt %max3A_9 : vector<1000x16xf32>
    %slice3A = vector.extract_strided_slice %rsqrt3A {offsets = [0, 0], sizes = [1000, 1], strides = [1, 1]} : vector<1000x16xf32> to vector<1000x1xf32>
    %get3A_10 = arith.constant 0 : index
    %get3A_11 = arith.constant 0 : index
    %get3A_12 = arith.constant 0 : index
    %get3A_13 = vector.load %arg3[%get3A_10, %get3A_11, %get3A_12] : memref<2x1000x16xf32, #tpu.memory_space<vmem>>, vector<1x1000x16xf32>
    %get3A_14 = vector.shape_cast %get3A_13 : vector<1x1000x16xf32> to vector<1000x16xf32>
    %get3A_15 = arith.constant 1 : index
    %get3A_16 = arith.constant 0 : index
    %get3A_17 = arith.constant 0 : index
    %get3A_18 = vector.load %arg3[%get3A_15, %get3A_16, %get3A_17] : memref<2x1000x16xf32, #tpu.memory_space<vmem>>, vector<1x1000x16xf32>
    %get3A_19 = vector.shape_cast %get3A_18 : vector<1x1000x16xf32> to vector<1000x16xf32>
    %add3A_20 = arith.addf %get3A_14, %get3A_19 : vector<1000x16xf32>
    %jit3A_21 = arith.constant 1.000000e+00 : f32
    %max3A_22 = vector.broadcast %jit3A_21 : f32 to vector<1000x16xf32>
    %max3A_23 = arith.maximumf %max3A_22, %add3A_20 : vector<1000x16xf32>
    %rsqrt3A_24 = math.rsqrt %max3A_23 : vector<1000x16xf32>
    %slice3A_25 = vector.extract_strided_slice %rsqrt3A_24 {offsets = [0, 0], sizes = [1000, 1], strides = [1, 1]} : vector<1000x16xf32> to vector<1000x1xf32>
    %get3A_26 = arith.constant 0 : index
    %get3A_27 = arith.constant 0 : index
    %get3A_28 = arith.constant 0 : index
    %get3A_29 = vector.load %arg1[%get3A_26, %get3A_27, %get3A_28] : memref<2x1000x128xf32, #tpu.memory_space<vmem>>, vector<1x1000x128xf32>
    %get3A_30 = vector.shape_cast %get3A_29 : vector<1x1000x128xf32> to vector<1000x128xf32>
    %get3A_31 = arith.constant 1 : index
    %get3A_32 = arith.constant 0 : index
    %get3A_33 = arith.constant 0 : index
    %get3A_34 = vector.load %arg1[%get3A_31, %get3A_32, %get3A_33] : memref<2x1000x128xf32, #tpu.memory_space<vmem>>, vector<1x1000x128xf32>
    %get3A_35 = vector.shape_cast %get3A_34 : vector<1x1000x128xf32> to vector<1000x128xf32>
    %add3A_36 = arith.addf %get3A_30, %get3A_35 : vector<1000x128xf32>
    %mul3A = vector.broadcast %slice3A : vector<1000x1xf32> to vector<1000x128xf32>
    %mul3A_37 = arith.mulf %add3A_36, %mul3A : vector<1000x128xf32>
    %get3A_38 = arith.constant 0 : index
    %get3A_39 = arith.constant 0 : index
    %get3A_40 = vector.load %arg4[%get3A_38, %get3A_39] : memref<1x128xf32, #tpu.memory_space<vmem>>, vector<1x128xf32>
    %add3A_41 = vector.broadcast %get3A_40 : vector<1x128xf32> to vector<1000x128xf32>
    %add3A_42 = arith.addf %mul3A_37, %add3A_41 : vector<1000x128xf32>
    %max3A_43 = arith.constant 0.000000e+00 : f32
    %max3A_44 = vector.broadcast %max3A_43 : f32 to vector<1000x128xf32>
    %max3A_45 = arith.maximumf %add3A_42, %max3A_44 : vector<1000x128xf32>
    %get3A_46 = arith.constant 0 : index
    %get3A_47 = arith.constant 0 : index
    %get3A_48 = vector.load %arg5[%get3A_46, %get3A_47] : memref<128x128xf32, #tpu.memory_space<vmem>>, vector<128x128xf32>
    %dot_general3A = arith.constant dense<0.000000e+00> : vector<1000x128xf32>
    %dot_general3A_49 = tpu.matmul %max3A_45, %get3A_48, %dot_general3A {dimension_numbers = #tpu.dot_dimension_numbers<[1], [0], [0], [1], [0, 0, 1, 1], [], []>, transpose_lhs_hint = false} : vector<1000x128xf32>, vector<128x128xf32>, vector<1000x128xf32> -> vector<1000x128xf32>
    %mul3A_50 = vector.broadcast %slice3A_25 : vector<1000x1xf32> to vector<1000x128xf32>
    %mul3A_51 = arith.mulf %dot_general3A_49, %mul3A_50 : vector<1000x128xf32>
    %swap3A = arith.constant 0 : index
    %swap3A_52 = arith.constant 0 : index
    %swap3A_53 = vector.load %arg6[%swap3A, %swap3A_52] : memref<1000x128xf32, #tpu.memory_space<vmem>>, vector<1000x128xf32>
    tpu.vector_store %arg6[%swap3A, %swap3A_52], %mul3A_51 {strides = array<i32>} : memref<1000x128xf32, #tpu.memory_space<vmem>>, vector<1000x128xf32>,
    return
  }
  func.func @transform_0(%arg0: i32) -> (i32, i32, i32) {
    %c0_i32 = arith.constant 0 : i32
    %c0_i32_0 = arith.constant 0 : i32
    %c0_i32_1 = arith.constant 0 : i32
    return %c0_i32, %arg0, %c0_i32_0 : i32, i32, i32
  }
  func.func @transform_1(%arg0: i32) -> (i32, i32, i32) {
    %c0_i32 = arith.constant 0 : i32
    %c0_i32_0 = arith.constant 0 : i32
    %c0_i32_1 = arith.constant 0 : i32
    return %c0_i32, %arg0, %c0_i32_0 : i32, i32, i32
  }
  func.func @transform_2(%arg0: i32) -> (i32, i32, i32) {
    %c0_i32 = arith.constant 0 : i32
    %c0_i32_0 = arith.constant 0 : i32
    %c0_i32_1 = arith.constant 0 : i32
    return %c0_i32, %arg0, %c0_i32_0 : i32, i32, i32
  }
  func.func @transform_3(%arg0: i32) -> (i32, i32) {
    %c0_i32 = arith.constant 0 : i32
    %c0_i32_0 = arith.constant 0 : i32
    %c0_i32_1 = arith.constant 0 : i32
    return %c0_i32, %c0_i32_0 : i32, i32
  }
  func.func @transform_4(%arg0: i32) -> (i32, i32) {
    %c0_i32 = arith.constant 0 : i32
    %c0_i32_0 = arith.constant 0 : i32
    %c0_i32_1 = arith.constant 0 : i32
    return %c0_i32, %c0_i32_0 : i32, i32
  }
  func.func @transform_5(%arg0: i32) -> (i32, i32) {
    %c0_i32 = arith.constant 0 : i32
    %c0_i32_0 = arith.constant 0 : i32
    return %arg0, %c0_i32 : i32, i32
  }
}

module attributes {stable_mosaic.version = 14 : i64} {
  func.func @_mm_body(%arg0: i32, %arg1: memref<1000x128xf32, #tpu.memory_space<vmem>>, %arg2: memref<128x128xf32, #tpu.memory_space<vmem>>, %arg3: memref<1000x128xf32, #tpu.memory_space<vmem>>) attributes {dimension_semantics = [#tpu.dimension_semantics<arbitrary>], iteration_bounds = array<i64: 10>, scalar_prefetch = 0 : i64, scratch_operands = 0 : i64, tpu.core_type = #tpu.core_type<tc>, window_params = [{transform_indices = @transform_0, window_bounds = array<i64: 1000, 128>}, {pipeline_mode = #tpu.pipeline_mode<synchronous>, transform_indices = @transform_1, window_bounds = array<i64: 128, 128>}, {transform_indices = @transform_2, window_bounds = array<i64: 1000, 128>}]} {
    %get3A = arith.constant 0 : index
    %get3A_0 = arith.constant 0 : index
    %get3A_1 = vector.load %arg1[%get3A, %get3A_0] : memref<1000x128xf32, #tpu.memory_space<vmem>>, vector<1000x128xf32>
    %get3A_2 = arith.constant 0 : index
    %get3A_3 = arith.constant 0 : index
    %get3A_4 = vector.load %arg2[%get3A_2, %get3A_3] : memref<128x128xf32, #tpu.memory_space<vmem>>, vector<128x128xf32>
    %dot_general3A = arith.constant dense<0.000000e+00> : vector<1000x128xf32>
    %dot_general3A_5 = tpu.matmul %get3A_1, %get3A_4, %dot_general3A {dimension_numbers = #tpu.dot_dimension_numbers<[1], [0], [0], [1], [0, 0, 1, 1], [], []>, transpose_lhs_hint = false} : vector<1000x128xf32>, vector<128x128xf32>, vector<1000x128xf32> -> vector<1000x128xf32>
    %swap3A = arith.constant 0 : index
    %swap3A_6 = arith.constant 0 : index
    %swap3A_7 = vector.load %arg3[%swap3A, %swap3A_6] : memref<1000x128xf32, #tpu.memory_space<vmem>>, vector<1000x128xf32>
    tpu.vector_store %arg3[%swap3A, %swap3A_6], %dot_general3A_5 {strides = array<i32>} : memref<1000x128xf32, #tpu.memory_space<vmem>>, vector<1000x128xf32>,
    return
  }
  func.func @transform_0(%arg0: i32) -> (i32, i32) {
    %c0_i32 = arith.constant 0 : i32
    %c0_i32_0 = arith.constant 0 : i32
    return %arg0, %c0_i32 : i32, i32
  }
  func.func @transform_1(%arg0: i32) -> (i32, i32) {
    %c0_i32 = arith.constant 0 : i32
    %c0_i32_0 = arith.constant 0 : i32
    %c0_i32_1 = arith.constant 0 : i32
    return %c0_i32, %c0_i32_0 : i32, i32
  }
  func.func @transform_2(%arg0: i32) -> (i32, i32) {
    %c0_i32 = arith.constant 0 : i32
    %c0_i32_0 = arith.constant 0 : i32
    return %arg0, %c0_i32 : i32, i32
  }
}

module attributes {stable_mosaic.version = 14 : i64} {
  func.func @_scale_body(%arg0: i32, %arg1: memref<1000x128xf32, #tpu.memory_space<vmem>>, %arg2: memref<2x1000x16xf32, #tpu.memory_space<vmem>>, %arg3: memref<1000x128xf32, #tpu.memory_space<vmem>>) attributes {dimension_semantics = [#tpu.dimension_semantics<arbitrary>], iteration_bounds = array<i64: 10>, scalar_prefetch = 0 : i64, scratch_operands = 0 : i64, tpu.core_type = #tpu.core_type<tc>, window_params = [{transform_indices = @transform_0, window_bounds = array<i64: 1000, 128>}, {transform_indices = @transform_1, window_bounds = array<i64: 2, 1000, 16>}, {transform_indices = @transform_2, window_bounds = array<i64: 1000, 128>}]} {
    %get3A = arith.constant 0 : index
    %get3A_0 = arith.constant 0 : index
    %get3A_1 = vector.load %arg1[%get3A, %get3A_0] : memref<1000x128xf32, #tpu.memory_space<vmem>>, vector<1000x128xf32>
    %get3A_2 = arith.constant 0 : index
    %get3A_3 = arith.constant 0 : index
    %get3A_4 = arith.constant 0 : index
    %get3A_5 = vector.load %arg2[%get3A_2, %get3A_3, %get3A_4] : memref<2x1000x16xf32, #tpu.memory_space<vmem>>, vector<1x1000x16xf32>
    %get3A_6 = vector.shape_cast %get3A_5 : vector<1x1000x16xf32> to vector<1000x16xf32>
    %get3A_7 = arith.constant 1 : index
    %get3A_8 = arith.constant 0 : index
    %get3A_9 = arith.constant 0 : index
    %get3A_10 = vector.load %arg2[%get3A_7, %get3A_8, %get3A_9] : memref<2x1000x16xf32, #tpu.memory_space<vmem>>, vector<1x1000x16xf32>
    %get3A_11 = vector.shape_cast %get3A_10 : vector<1x1000x16xf32> to vector<1000x16xf32>
    %add3A = arith.addf %get3A_6, %get3A_11 : vector<1000x16xf32>
    %jit3A = arith.constant 1.000000e+00 : f32
    %max3A = vector.broadcast %jit3A : f32 to vector<1000x16xf32>
    %max3A_12 = arith.maximumf %max3A, %add3A : vector<1000x16xf32>
    %rsqrt3A = math.rsqrt %max3A_12 : vector<1000x16xf32>
    %slice3A = vector.extract_strided_slice %rsqrt3A {offsets = [0, 0], sizes = [1000, 1], strides = [1, 1]} : vector<1000x16xf32> to vector<1000x1xf32>
    %mul3A = vector.broadcast %slice3A : vector<1000x1xf32> to vector<1000x128xf32>
    %mul3A_13 = arith.mulf %get3A_1, %mul3A : vector<1000x128xf32>
    %swap3A = arith.constant 0 : index
    %swap3A_14 = arith.constant 0 : index
    %swap3A_15 = vector.load %arg3[%swap3A, %swap3A_14] : memref<1000x128xf32, #tpu.memory_space<vmem>>, vector<1000x128xf32>
    tpu.vector_store %arg3[%swap3A, %swap3A_14], %mul3A_13 {strides = array<i32>} : memref<1000x128xf32, #tpu.memory_space<vmem>>, vector<1000x128xf32>,
    return
  }
  func.func @transform_0(%arg0: i32) -> (i32, i32) {
    %c0_i32 = arith.constant 0 : i32
    %c0_i32_0 = arith.constant 0 : i32
    return %arg0, %c0_i32 : i32, i32
  }
  func.func @transform_1(%arg0: i32) -> (i32, i32, i32) {
    %c0_i32 = arith.constant 0 : i32
    %c0_i32_0 = arith.constant 0 : i32
    %c0_i32_1 = arith.constant 0 : i32
    return %c0_i32, %arg0, %c0_i32_0 : i32, i32, i32
  }
  func.func @transform_2(%arg0: i32) -> (i32, i32) {
    %c0_i32 = arith.constant 0 : i32
    %c0_i32_0 = arith.constant 0 : i32
    return %arg0, %c0_i32 : i32, i32
  }
}

module attributes {stable_mosaic.version = 14 : i64} {
  func.func @_final_body(%arg0: i32, %arg1: memref<2x1000x128xf32, #tpu.memory_space<vmem>>, %arg2: memref<2x1000x16xf32, #tpu.memory_space<vmem>>, %arg3: memref<1x128xf32, #tpu.memory_space<vmem>>, %arg4: memref<1000x128xf32, #tpu.memory_space<vmem>>) attributes {dimension_semantics = [#tpu.dimension_semantics<arbitrary>], iteration_bounds = array<i64: 10>, scalar_prefetch = 0 : i64, scratch_operands = 0 : i64, tpu.core_type = #tpu.core_type<tc>, window_params = [{transform_indices = @transform_0, window_bounds = array<i64: 2, 1000, 128>}, {transform_indices = @transform_1, window_bounds = array<i64: 2, 1000, 16>}, {pipeline_mode = #tpu.pipeline_mode<synchronous>, transform_indices = @transform_2, window_bounds = array<i64: 1, 128>}, {transform_indices = @transform_3, window_bounds = array<i64: 1000, 128>}]} {
    %get3A = arith.constant 0 : index
    %get3A_0 = arith.constant 0 : index
    %get3A_1 = arith.constant 0 : index
    %get3A_2 = vector.load %arg2[%get3A, %get3A_0, %get3A_1] : memref<2x1000x16xf32, #tpu.memory_space<vmem>>, vector<1x1000x16xf32>
    %get3A_3 = vector.shape_cast %get3A_2 : vector<1x1000x16xf32> to vector<1000x16xf32>
    %get3A_4 = arith.constant 1 : index
    %get3A_5 = arith.constant 0 : index
    %get3A_6 = arith.constant 0 : index
    %get3A_7 = vector.load %arg2[%get3A_4, %get3A_5, %get3A_6] : memref<2x1000x16xf32, #tpu.memory_space<vmem>>, vector<1x1000x16xf32>
    %get3A_8 = vector.shape_cast %get3A_7 : vector<1x1000x16xf32> to vector<1000x16xf32>
    %add3A = arith.addf %get3A_3, %get3A_8 : vector<1000x16xf32>
    %jit3A = arith.constant 1.000000e+00 : f32
    %max3A = vector.broadcast %jit3A : f32 to vector<1000x16xf32>
    %max3A_9 = arith.maximumf %max3A, %add3A : vector<1000x16xf32>
    %rsqrt3A = math.rsqrt %max3A_9 : vector<1000x16xf32>
    %slice3A = vector.extract_strided_slice %rsqrt3A {offsets = [0, 0], sizes = [1000, 1], strides = [1, 1]} : vector<1000x16xf32> to vector<1000x1xf32>
    %get3A_10 = arith.constant 0 : index
    %get3A_11 = arith.constant 0 : index
    %get3A_12 = arith.constant 0 : index
    %get3A_13 = vector.load %arg1[%get3A_10, %get3A_11, %get3A_12] : memref<2x1000x128xf32, #tpu.memory_space<vmem>>, vector<1x1000x128xf32>
    %get3A_14 = vector.shape_cast %get3A_13 : vector<1x1000x128xf32> to vector<1000x128xf32>
    %get3A_15 = arith.constant 1 : index
    %get3A_16 = arith.constant 0 : index
    %get3A_17 = arith.constant 0 : index
    %get3A_18 = vector.load %arg1[%get3A_15, %get3A_16, %get3A_17] : memref<2x1000x128xf32, #tpu.memory_space<vmem>>, vector<1x1000x128xf32>
    %get3A_19 = vector.shape_cast %get3A_18 : vector<1x1000x128xf32> to vector<1000x128xf32>
    %add3A_20 = arith.addf %get3A_14, %get3A_19 : vector<1000x128xf32>
    %mul3A = vector.broadcast %slice3A : vector<1000x1xf32> to vector<1000x128xf32>
    %mul3A_21 = arith.mulf %add3A_20, %mul3A : vector<1000x128xf32>
    %get3A_22 = arith.constant 0 : index
    %get3A_23 = arith.constant 0 : index
    %get3A_24 = vector.load %arg3[%get3A_22, %get3A_23] : memref<1x128xf32, #tpu.memory_space<vmem>>, vector<1x128xf32>
    %add3A_25 = vector.broadcast %get3A_24 : vector<1x128xf32> to vector<1000x128xf32>
    %add3A_26 = arith.addf %mul3A_21, %add3A_25 : vector<1000x128xf32>
    %swap3A = arith.constant 0 : index
    %swap3A_27 = arith.constant 0 : index
    %swap3A_28 = vector.load %arg4[%swap3A, %swap3A_27] : memref<1000x128xf32, #tpu.memory_space<vmem>>, vector<1000x128xf32>
    tpu.vector_store %arg4[%swap3A, %swap3A_27], %add3A_26 {strides = array<i32>} : memref<1000x128xf32, #tpu.memory_space<vmem>>, vector<1000x128xf32>,
    return
  }
  func.func @transform_0(%arg0: i32) -> (i32, i32, i32) {
    %c0_i32 = arith.constant 0 : i32
    %c0_i32_0 = arith.constant 0 : i32
    %c0_i32_1 = arith.constant 0 : i32
    return %c0_i32, %arg0, %c0_i32_0 : i32, i32, i32
  }
  func.func @transform_1(%arg0: i32) -> (i32, i32, i32) {
    %c0_i32 = arith.constant 0 : i32
    %c0_i32_0 = arith.constant 0 : i32
    %c0_i32_1 = arith.constant 0 : i32
    return %c0_i32, %arg0, %c0_i32_0 : i32, i32, i32
  }
  func.func @transform_2(%arg0: i32) -> (i32, i32) {
    %c0_i32 = arith.constant 0 : i32
    %c0_i32_0 = arith.constant 0 : i32
    %c0_i32_1 = arith.constant 0 : i32
    return %c0_i32, %c0_i32_0 : i32, i32
  }
  func.func @transform_3(%arg0: i32) -> (i32, i32) {
    %c0_i32 = arith.constant 0 : i32
    %c0_i32_0 = arith.constant 0 : i32
    return %arg0, %c0_i32 : i32, i32
  }
}

</mosaic_0001>

<sc_bundles>
// kernel: kernel.12.cloned.1.call-start
scs
__scs_entry_jumppad:
0x0: {  	(pc) =	sbr.rel $0x88, $3  }
0x1: {  	(tag) =	ssettag $0x0;
	lr =	simm.s32 $0x1  }
0x2: {  	[smem:$0x3F9B] =	sst lr;
	_ =	strace $0xD0000000  }
0x3: {  	_ = 	snop  }
0x4: {  	_ = 	snop  }
0x5: {  	_ = 	snop  }
0x6: {  	_ = 	snop  }
0x7: {  	_ = 	snop  }
__scs_overlays_trampoline_lowered:
0x8: {  	[smem:$0x3FAA] =	sst s0  }
0x9: {  	[smem:$0x3FAB] =	sst s1  }
0xa: {  	[smem:$0x3FAC] =	sst s2  }
0xb: {  	[smem:$0x3FAD] =	sst s3  }
0xc: {  	[smem:$0x3FAE] =	sst s4  }
0xd: {  	[smem:$0x3FAF] =	sst s5  }
0xe: {  	[smem:$0x3FB0] =	sst s6  }
0xf: {  	[smem:$0x3FB1] =	sst s7  }
0x10: {  	[smem:$0x3FB2] =	sst s8  }
0x11: {  	[smem:$0x3FB3] =	sst s9;
	s0 =	simm.s32 @!p0 $0x0  }
0x12: {  	s1 =	sld [smem:$0x3F99];
	s0 =	simm.s32 @p0 $0x1  }
0x13: {  	[smem:$0x3FB4] =	sst s0;
	s0 =	simm.s32 @!p1 $0x0  }
0x14: {  	s2 =	sld [smem:$0x3F98];
	s0 =	simm.s32 @p1 $0x1  }
0x15: {  	[smem:$0x3FB5] =	sst s0;
	s0 =	simm.s32 @!p2 $0x0  }
0x16: {  	s3 =	sld [smem:$0x3FDB];
	s0 =	simm.s32 @p2 $0x1  }
0x17: {  	s4 =	simm.s32 $0x1BF5;
	[smem:$0x3FB7] =	sst s0  }
0x18: {  	s0 =	sld [smem:$0x3F9A];
	_ =	swait.ge [sflag:s4], $0x0  }
0x19: {  	s7 =	sld [smem:$0x3F9B]  }
0x1a: {  	s8 =	sadd.s32 $0xFFFFE003, lr  }
0x1b: {  	s9 =	sadd.s32 $0xFFFFFEF7, lr;
	s5 =	simm.s32 $0xFFFFFFFF;
	p2 =	slt.u32 s8, $0xFFFFF086  }
0x1c: {  	p1 =	slt.u32 s9, $0xF7A;
	s5 =	simm.s32 @!p2 $0x0  }
0x1d: {  	s5 =	simm.s32 @p1 $0x1;
	p0 =	seq.s32 s7, s2  }
0x1e: {  	s7 =	smul.u32 @!p0 $0xF7A, s2;
	p2 =	seq.s32 @!p0 s5, $0x0  }
0x1f: {  	s9 =	smul.u32 $0xF7A, s1;
	s8 =	simm.s32 @!p0 $0x1BF5;
	p2 =	por !p2, p0  }
0x20: {  	[sflag:s8] =	ssyncset.s32 @!p0 $0xFFFFF086;
	s6 =	sadd.s32 @!p0 s3, s7;
	s7 =	simm.s32 @!p0 $0x108  }
0x21: {  	s3 =	sadd.s32 s3, s9;
	s6 =	sadd.s32 @!p0 $0x88, s6;
	s7 =	simm.s32 @p2 $0x1082  }
0x22: {  	[simem:s7], [sflag:s8] =	dma.local @!p0 [hbm:s6], $0xF7A  }
0x23: {  	s9 =	sor.u32 $0xD0000000, s2;
	s6 =	simm.s32 $0x108;
	_ =	swait.ge @!p0 [sflag:s8], $0x0  }
0x24: {  	s3 =	sadd.s32 $0x88, s3;
	s6 =	simm.s32 @!p1 $0x1082;
	[sflag:s4] =	ssyncset.s32 $0xFFFFF086  }
0x25: {  	[simem:s6], [sflag:s4] =	dma.local [hbm:s3], $0xF7A  }
0x26: {  	[smem:$0x3F9B] =	sst s1;
	(tag) =	ssettag s2;
	_ =	strace s9  }
0x27: {  	s1 =	sld [smem:$0x3FAB]  }
0x28: {  	s2 =	sld [smem:$0x3FAC]  }
0x29: {  	s4 =	sld [smem:$0x3FAE]  }
0x2a: {  	p0 =	seq.s32 s5, $0x0;
	s5 =	sld [smem:$0x3FAF]  }
0x2b: {  	s6 =	sld [smem:$0x3FB0]  }
0x2c: {  	s7 =	sld [smem:$0x3FB1]  }
0x2d: {  	s3 =	simm.s32 $0x108;
	s8 =	sld [smem:$0x3FB2]  }
0x2e: {  	s3 =	simm.s32 @!p0 $0x1082;
	s9 =	sld [smem:$0x3FB3]  }
0x2f: {  	lr =	sadd.s32 s0, s3;
	s0 =	sld [smem:$0x3FAA]  }
0x30: {  	s3 =	sld [smem:$0x3FAD]  }
0x31: {  	[smem:$0x3FB6] =	sst s10  }
0x32: {  	s10 =	sld [smem:$0x3FB4];
	_ =	sdelay $0x3  }
0x33: {  	p0 =	seq.s32 s10, $0x1;
	s10 =	sld [smem:$0x3FB6];
	_ =	sdelay $0x3  }
0x34: {  	[smem:$0x3FB6] =	sst s10  }
0x35: {  	s10 =	sld [smem:$0x3FB5];
	_ =	sdelay $0x3  }
0x36: {  	p1 =	seq.s32 s10, $0x1;
	s10 =	sld [smem:$0x3FB6];
	_ =	sdelay $0x3  }
0x37: {  	[smem:$0x3FB6] =	sst s10  }
0x38: {  	s10 =	sld [smem:$0x3FB7]  }
0x39: {  	_ = 	snop;
	(pc) =	sbr.ind lr, $3  }
0x3a: {  	_ = 	snop  }
0x3b: {  	_ = 	snop  }
0x3c: {  	p2 =	seq.s32 s10, $0x1;
	s10 =	sld [smem:$0x3FB6]  }
0x3d: {  	_ =	shalt  }
0x3e: {  	_ =	shalt  }
0x3f: {  	_ =	shalt  }
0x40: {  	_ =	shalt  }
0x41: {  	_ =	shalt  }
0x42: {  	_ =	shalt  }
0x43: {  	_ =	shalt  }
0x44: {  	_ =	shalt  }
0x45: {  	_ =	shalt  }
0x46: {  	_ =	shalt  }
0x47: {  	_ =	shalt  }
0x48: {  	_ =	shalt  }
0x49: {  	_ =	shalt  }
0x4a: {  	_ =	shalt  }
0x4b: {  	_ =	shalt  }
0x4c: {  	_ =	shalt  }
0x4d: {  	_ =	shalt  }
0x4e: {  	_ =	shalt  }
0x4f: {  	_ =	shalt  }
0x50: {  	_ =	shalt  }
0x51: {  	_ =	shalt  }
0x52: {  	_ =	shalt  }
0x53: {  	_ =	shalt  }
0x54: {  	_ =	shalt  }
0x55: {  	_ =	shalt  }
0x56: {  	_ =	shalt  }
0x57: {  	_ =	shalt  }
0x58: {  	_ =	shalt  }
0x59: {  	_ =	shalt  }
0x5a: {  	_ =	shalt  }
0x5b: {  	_ =	shalt  }
0x5c: {  	_ =	shalt  }
0x5d: {  	_ =	shalt  }
0x5e: {  	_ =	shalt  }
0x5f: {  	_ =	shalt  }
0x60: {  	_ =	shalt  }
0x61: {  	_ =	shalt  }
0x62: {  	_ =	shalt  }
0x63: {  	_ =	shalt  }
0x64: {  	_ =	shalt  }
0x65: {  	_ =	shalt  }
0x66: {  	_ =	shalt  }
0x67: {  	_ =	shalt  }
0x68: {  	_ =	shalt  }
0x69: {  	_ =	shalt  }
0x6a: {  	_ =	shalt  }
0x6b: {  	_ =	shalt  }
0x6c: {  	_ =	shalt  }
0x6d: {  	_ =	shalt  }
0x6e: {  	_ =	shalt  }
0x6f: {  	_ =	shalt  }
0x70: {  	_ =	shalt  }
0x71: {  	_ =	shalt  }
0x72: {  	_ =	shalt  }
0x73: {  	_ =	shalt  }
0x74: {  	_ =	shalt  }
0x75: {  	_ =	shalt  }
0x76: {  	_ =	shalt  }
0x77: {  	_ =	shalt  }
0x78: {  	_ =	shalt  }
0x79: {  	_ =	shalt  }
0x7a: {  	_ =	shalt  }
0x7b: {  	_ =	shalt  }
0x7c: {  	_ =	shalt  }
0x7d: {  	_ =	shalt  }
0x7e: {  	_ =	shalt  }
0x7f: {  	_ =	shalt  }
0x80: {  	_ =	shalt  }
0x81: {  	_ =	shalt  }
0x82: {  	_ =	shalt  }
0x83: {  	_ =	shalt  }
0x84: {  	_ =	shalt  }
0x85: {  	_ =	shalt  }
0x86: {  	_ =	shalt  }
0x87: {  	_ =	shalt  }
.Lfunc_end0:
.L_simem_size_0:
called_computation.1_lowered:
.L_overlay_start_0:
0x88: {  	s2 =	sld [smem:$0x3FD9]  }
0x89: {  	s3 =	sld [smem:$0x3FFE];
	_ =	sdelay $0x1  }
0x8a: {  	s1 =	srdreg.scid  }
0x8b: {  	s0 =	sand.u32 $0x1, s1  }
0x8c: {  	s17 =	sshll.u32 s0, $0xA;
	s2 =	sadd.s32 s3, s2  }
0x8d: {  	s2 =	sadd.s32 s2, s17  }
0x8e: {  	[smem:$0x3FC2] =	sst s2  }
0x8f: {  	_ = 	snop  }
0x90: {  	s2 =	sld [smem:$0x3FD0];
	(tm) =	ssettm $0x1  }
0x91: {  	s18 =	sld [smem:$0x3FFB];
	_ =	sdelay $0x3  }
0x92: {  	_ =	strace s18  }
0x93: {  	s3 =	sld [smem:$0x3FFC];
	_ =	sdelay $0x3  }
0x94: {  	_ =	strace s3  }
0x95: {  	s3 =	sld [smem:$0x3FFD];
	_ =	sdelay $0x3  }
0x96: {  	_ =	strace s3  }
0x97: {  	_ =	strace $0x8FFFFFFF  }
0x98: {  	s19 =	sld [smem:$0x3FDB];
	_ =	sdelay $0x1  }
0x99: {  	s4 =	simm.s32 $_scs_section_size  }
0x9a: {  	s5 =	simm.s32 $_size__tile_overlayer_lowered;
	s6 =	simm.s32 $_tile_overlayer_lowered  }
0x9b: {  	s22 =	simm.s32 $0x1BFF;
	s21 =	sshll.u32 s6, $0x1;
	s3 =	sadd.s32 s4, s19  }
0x9c: {  	s7 =	simm.s32 $0x0;
	s20 =	sshll.u32 s5, $0x1;
	s5 =	sadd.s32 s21, s3  }
0x9d: {  	[timem:s7], [sflag:s22] =	dma.local [hbm:s5], s20  }
0x9e: {  	_ =	swait.ge [sflag:s22], s20  }
0x9f: {  	s4 =	ssub.s32 $0x0, s20;
	[sflag:s22] =	ssyncset.done $0x0  }
0xa0: {  	[sflag:s22] =	ssyncadd.s32 s4;
	_ =	sdelay $0x1  }
0xa1: {  	s23 =	simm.s32 $0x1B8B  }
0xa2: {  	_ =	swait.ge [sflag:s23], $0x1  }
0xa3: {  	[sflag:s23] =	ssyncset.done $0x0  }
0xa4: {  	s25 =	simm.s32 $0x1B8E;
	s24 =	sld [smem:$0x3FFE];
	[sflag:s23] =	ssyncadd.s32 $0xFFFFFFFF  }
0xa5: {  	s26 =	simm.s32 $execute0_lowered;
	[smem:$0x3FD2] =	sst s25  }
0xa6: {  	s5 =	sshll.u32 s26, $0x1;
	_ =	strace $0x80000049;
	[dreg:$0x1] =	wrdreg $0xFFFFFFFF  }
0xa7: {  	s28 =	simm.s32 $_size_execute0_lowered;
	s3 =	sadd.s32 s3, s5;
	[dreg:$0x0] =	wrdreg $0x0  }
0xa8: {  	s5 =	sshll.u32 s28, $0x1;
	[dreg:$0x2] =	wrdreg s3  }
0xa9: {  	[dreg:$0x3] =	wrdreg s5  }
0xaa: {  	[dreg:$0x4] =	wrdreg $0xC0  }
0xab: {  	_ =	task [dreg:s7], $0x5FFFF  }
0xac: {  	[dreg:$0x1] =	wrdreg $0xFFFFFFFF  }
0xad: {  	[dreg:$0x0] =	wrdreg $0x60  }
0xae: {  	[dreg:$0x2] =	wrdreg s2  }
0xaf: {  	[dreg:$0x3] =	wrdreg s24  }
0xb0: {  	[dreg:$0x4] =	wrdreg $0x2A000  }
0xb1: {  	[dreg:$0x5] =	wrdreg $0x9  }
0xb2: {  	_ =	task.clear_ibuf [dreg:s7], $0x6FFFF;
	_ =	strace $0x90000049  }
0xb3: {  	s29 =	simm.s32 $0x9;
	_ =	strace $0x8000004B  }
0xb4: {  	_ =	swait.ge [sflag:s29], $0x1  }
0xb5: {  	[sflag:s29] =	ssyncadd.s32 $0xFFFFFFFF  }
0xb6: {  	_ =	strace $0x9000004B  }
0xb7: {  	_ =	sfence  }
0xb8: {  	s30 =	sld [smem:$0x0];
	_ =	sdelay $0x2  }
0xb9: {  	s31 =	sshll.u32 s1, $0xD;
	s1 =	sshrl.u32 s1, $0x2  }
0xba: {  	s3 =	sand.u32 $0x4000, s31;
	s1 =	sadd.s32 s1, s30  }
0xbb: {  	s0 =	sor.u32 s3, s0;
	s1 =	sshll.u32 s1, $0x11  }
0xbc: {  	s0 =	sor.u32 s1, s0  }
0xbd: {  	s0 =	sadd.s32 $0x8F2B, s0  }
0xbe: {  	[sflag:s0] =	ssyncadd.remote.s32 $0x1  }
0xbf: {  	_ =	sfence.sel $0xFFFF  }
0xc0: {  	[dreg:$0x0] =	wrdreg $0xFFFFFFFF;
	(pc) =	sbr.abs _section_cstart, $3  }
0xc1: {  	[dreg:$0x1] =	wrdreg $0xFFFFFFFF  }
0xc2: {  	_ =	task.clear_ibuf [dreg:s7], $0x2FFFF;
	_ =	strace $0x9FFFFFFF  }
0xc3: {  	(tm) =	ssettm $0x7FFFFFFF  }
tec
execute0_lowered:
.L_overlay_start_1:
0x0: {  	(tag) =	ssettag $0x1  }
0x1: {  	s1 =	rddreg [dreg:$0x0]  }
0x2: {  	s0 =	rddreg [dreg:$0x1];
	s3 =	srdreg.scid  }
0x3: {  	s2 =	rddreg [dreg:$0x2];
	s7 =	sand.u32 $0x1, s3  }
0x4: {  	s3 =	stileid.u32;
	s8 =	smul.u32 $0x138800, s7  }
0x5: {  	s4 =	simm.s32 $0x0;
	s28 =	simm.s32 $0x4;
	s9 =	smul.u32 $0x1400, s3  }
0x6: {  	s5 =	sshll.u32 s7, $0x4;
	s18 =	ssub.s32 $0x2, s7;
	s7 =	smul.u32 $0x27100, s7  }
0x7: {  	s29 =	simm.s32 $0x0;
	[smem:$0x7FF] =	sst s4;
	s12 =	smul.u32 $0x2710, s3  }
0x8: {  	s6 =	sadd.s32 $0x2E00, s0;
	s14 =	smul.u32 $0x5000, s3;
	s10 =	sor.u32 s3, s5  }
0x9: {  	_ =	strace $0x8000004A;
	s5 =	sadd.s32 $0xCC00, s0;
	s11 =	smul.u32 $0x4E2, s10  }
0xa: {  	s19 =	sshrl.u32 s18, $0x1;
	s8 =	sadd.s32 s9, s8;
	s17 =	smul.u32 $0x2710, s10  }
0xb: {  	s13 =	ssub.s32 s18, s19;
	s7 =	sadd.s32 s12, s7;
	s30 =	sshrl.u32 s14, $0x2  }
0xc: {  	s18 =	simm.s32 $0x100;
	s19 =	simm.s32 $0x180;
	s8 =	sshrl.u32 s8, $0x3  }
0xd: {  	s25 =	sadd.s32 $0x78, s7;
	s12 =	sadd.s32 s30, s2;
	s15 =	sadd.s32 $0x50, s7  }
0xe: {  	s0 =	sadd.s32 s8, s0;
	s20 =	sadd.s32 s5, s11;
	s21 =	sadd.s32 $0x28, s17  }
0xf: {  	s23 =	sadd.s32 s6, s11;
	s31 =	sshrl.u32 s25, $0x3;
	s11 =	smax.u32 s13, $0x1  }
0x10: {  	s17 =	simm.s32 $0x80;
	s25 =	simm.s32 $0x2;
	[dreg:$0x4] =	wrdreg s20  }
0x11: {  	s22 =	sshrl.u32 s21, $0x3;
	[dreg:$0x5] =	wrdreg s23;
	s13 =	sadd.s32 s31, s6  }
0x12: {  	s14 =	sadd.s32 s31, s5;
	s16 =	sadd.s32 $0xB2E00, s0;
	s20 =	simm.s32 $0x1  }
0x13: {  	s21 =	simm.s32 $0x28;
	s23 =	simm.s32 $0x3;
	s24 =	sadd.s32 s5, s22  }
0x14: {  	s26 =	sadd.s32 s6, s22;
	s22 =	simm.s32 $0x200;
	[dreg:$0x6] =	wrdreg s24  }
0x15: {  	v0 =	vimm.f32 $0.0e+00;
	[dreg:$0x7] =	wrdreg s26;
	s24 =	simm.s32 $0x5;
	s26 =	simm.s32 $0x1600  }
.LBB2_1:
0x16: {  	s0 =	simm.s32 $0x70;
	s7 =	simm.s32 $0x3C0  }
.LBB2_2:
0x17: {  	p0 =	sne.s32 s7, $0x4FC0;
	[tilespmem:s0+$0x200] =	vst v0  }
0x18: {  	[tilespmem:s0+$0x190] =	vst v0  }
0x19: {  	[tilespmem:s0+$0x1A0] =	vst v0  }
.Ltmp0:
0x1a: {  	[tilespmem:s0+$0x1B0] =	vst v0;
	(pc) =	sbr.rel @p0 .LBB2_2-.Ltmp0, $4  }
0x1b: {  	[tilespmem:s0+$0x1C0] =	vst v0  }
0x1c: {  	[tilespmem:s0+$0x1D0] =	vst v0  }
0x1d: {  	[tilespmem:s0+$0x1E0] =	vst v0  }
0x1e: {  	[tilespmem:s0+$0x1F0] =	vst v0;
	s0 =	sshra.s32 s7, $0x2;
	s7 =	sadd.s32 $0x200, s7  }
0x1f: {  	[tilespmem:s0+$0x200] =	vst v0  }
0x20: {  	[tilespmem:s0+$0x190] =	vst v0  }
0x21: {  	[tilespmem:s0+$0x1A0] =	vst v0  }
0x22: {  	[tilespmem:s0+$0x1B0] =	vst v0  }
0x23: {  	[tilespmem:s0+$0x1C0] =	vst v0  }
0x24: {  	[tilespmem:s0+$0x1D0] =	vst v0;
	s7 =	sadd.s32 $0x0, s3  }
0x25: {  	[tilespmem:s0+$0x1E0] =	vst v0;
	p0 =	sgt.u32 s7, $0xF9  }
0x26: {  	[tilespmem:s0+$0x1F0] =	vst v0;
	s0 =	simm.s32 @!p0 $0x200;
	s31 =	simm.s32 @!p0 $0x5  }
0x27: {  	[spmem:s12] =	stream.linear.scatter @!p0 [tilespmem:s0], [sflag:$0x5], $0x1400, $0x38;
	[tilespmem:$0x16280] =	vst v63  }
0x28: {  	s30 =	simm.s32 $0x20;
	_ =	swait.ge @!p0 [sflag:s31], $0x1400  }
0x29: {  	s7 =	simm.s32 $0x10;
	s0 =	sadd.s32 $0x14000, s12;
	[sflag:s31] =	ssyncset.done @!p0 $0x0  }
.LBB2_4:
0x2a: {  	s8 =	sadd.s32 s7, s3;
	s7 =	smov.u32 s30;
	s30 =	sadd.s32 $0x10, s30  }
0x2b: {  	[sflag:s31] =	ssyncadd.s32 @!p0 $0xFFFFEC00;
	p1 =	sne.s32 s30, $0x100  }
.Ltmp1:
0x2c: {  	p0 =	sgt.u32 s8, $0xF9;
	(pc) =	sbr.rel @p1 .LBB2_4-.Ltmp1, $4  }
0x2d: {  	s8 =	simm.s32 @!p0 $0x200;
	s31 =	simm.s32 @!p0 $0x5  }
0x2e: {  	[spmem:s0] =	stream.linear.scatter @!p0 [tilespmem:s8], [sflag:$0x5], $0x1400, $0x38;
	[tilespmem:$0x16280] =	vst v63  }
0x2f: {  	_ =	swait.ge @!p0 [sflag:s31], $0x1400  }
0x30: {  	s0 =	sadd.s32 $0x14000, s0;
	[sflag:s31] =	ssyncset.done @!p0 $0x0  }
0x31: {  	s7 =	sadd.s32 s7, s3  }
0x32: {  	p1 =	sgt.u32 s7, $0xF9  }
0x33: {  	[sflag:s31] =	ssyncadd.s32 @!p0 $0xFFFFEC00;
	s7 =	simm.s32 @!p1 $0x200  }
0x34: {  	[spmem:s0] =	stream.linear.scatter @!p1 [tilespmem:s7], [sflag:$0x5], $0x1400, $0x38;
	[tilespmem:$0x16280] =	vst v63  }
0x35: {  	s0 =	simm.s32 @!p1 $0x5  }
0x36: {  	_ =	swait.ge @!p1 [sflag:s0], $0x1400  }
0x37: {  	[sflag:s0] =	ssyncset.done @!p1 $0x0  }
0x38: {  	s9 =	rddreg [dreg:$0x4];
	[sflag:s0] =	ssyncadd.s32 @!p1 $0xFFFFEC00;
	s0 =	simm.s32 $0x0  }
0x39: {  	[tilespmem:s0], [sflag:$0x1] =	stream.linear.gather [hbm4b:s9+s0], $0x28, $0x38;
	[tilespmem:$0x16280] =	vst v63  }
0x3a: {  	s10 =	rddreg [dreg:$0x5]  }
0x3b: {  	[tilespmem:s17], [sflag:$0x1] =	stream.linear.gather [hbm4b:s10+s0], $0x28, $0x38;
	[tilespmem:$0x16280] =	vst v63  }
0x3c: {  	s8 =	rddreg [dreg:$0x6]  }
0x3d: {  	[tilespmem:s18], [sflag:$0x2] =	stream.linear.gather [hbm4b:s8+s0], $0x28, $0x38;
	[tilespmem:$0x16280] =	vst v63  }
0x3e: {  	s9 =	rddreg [dreg:$0x7]  }
0x3f: {  	[tilespmem:s19], [sflag:$0x2] =	stream.linear.gather [hbm4b:s9+s0], $0x28, $0x38;
	[tilespmem:$0x16280] =	vst v63  }
0x40: {  	[bflag:$0x0] =	sbarrier.arrive $0xFFFF  }
0x41: {  	_ =	swait.ge [sflag:s20], $0x28  }
0x42: {  	[sflag:s20] =	ssyncset.done $0x0  }
0x43: {  	[sflag:s20] =	ssyncadd.s32 $0xFFFFFFD8  }
0x44: {  	_ =	swait.ge [sflag:s20], $0x28  }
0x45: {  	[sflag:s20] =	ssyncset.done $0x0  }
0x46: {  	[sflag:s20] =	ssyncadd.s32 $0xFFFFFFD8  }
0x47: {  	[tilespmem:s22], [sflag:$0x3] =	stream.indirect.gather [hbm4b:s1+s21], $0x80, s0, s21, $0xb8;
	[tilespmem:$0x16280] =	vst v63  }
0x48: {  	_ =	swait.ge [sflag:s23], $0x1400  }
0x49: {  	[sflag:s23] =	ssyncset.done $0x0  }
0x4a: {  	[sflag:s23] =	ssyncadd.s32 $0xFFFFEC00  }
0x4b: {  	[spmem:s2] =	stream.indirect.scatter.add.f32 [tilespmem:s22], [sflag:$0x5], $0x80, s17, s21, $0xb8;
	[tilespmem:$0x16280] =	vst v63  }
0x4c: {  	_ =	swait.ge [sflag:s24], $0x1400  }
0x4d: {  	s10 =	sshrl.u32 s15, $0x3;
	[sflag:s24] =	ssyncset.done $0x0  }
0x4e: {  	s8 =	sadd.s32 s5, s10;
	[sflag:s24] =	ssyncadd.s32 $0xFFFFEC00  }
0x4f: {  	[tilespmem:s4], [sflag:$0x1] =	stream.linear.gather [hbm4b:s8+s4], $0x28, $0x38;
	[tilespmem:$0x16280] =	vst v63  }
0x50: {  	s0 =	sadd.s32 s6, s10  }
0x51: {  	[tilespmem:s17], [sflag:$0x1] =	stream.linear.gather [hbm4b:s0+s4], $0x28, $0x38;
	[tilespmem:$0x16280] =	vst v63  }
0x52: {  	_ =	swait.ge [sflag:s25], $0x28  }
0x53: {  	[sflag:s25] =	ssyncset.done $0x0  }
0x54: {  	[sflag:s25] =	ssyncadd.s32 $0xFFFFFFD8  }
0x55: {  	_ =	swait.ge [sflag:s25], $0x28  }
0x56: {  	[sflag:s25] =	ssyncset.done $0x0  }
0x57: {  	[sflag:s25] =	ssyncadd.s32 $0xFFFFFFD8  }
0x58: {  	[tilespmem:s26], [sflag:$0x4] =	stream.indirect.gather [hbm4b:s1+s21], $0x80, s18, s21, $0xb8;
	[tilespmem:$0x16280] =	vst v63  }
0x59: {  	_ =	swait.ge [sflag:s28], $0x1400  }
0x5a: {  	[sflag:s28] =	ssyncset.done $0x0  }
0x5b: {  	[sflag:s28] =	ssyncadd.s32 $0xFFFFEC00  }
0x5c: {  	[spmem:s2] =	stream.indirect.scatter.add.f32 [tilespmem:s26], [sflag:$0x5], $0x80, s19, s21, $0xb8;
	[tilespmem:$0x16280] =	vst v63  }
0x5d: {  	_ =	swait.ge [sflag:s24], $0x1400  }
0x5e: {  	[sflag:s24] =	ssyncset.done $0x0  }
0x5f: {  	s9 =	sadd.s32 $0x0, s14;
	[sflag:s24] =	ssyncadd.s32 $0xFFFFEC00  }
0x60: {  	[tilespmem:s18], [sflag:$0x2] =	stream.linear.gather [hbm4b:s9+s4], $0x28, $0x38;
	[tilespmem:$0x16280] =	vst v63  }
0x61: {  	s10 =	sadd.s32 $0x0, s13  }
0x62: {  	[tilespmem:s19], [sflag:$0x2] =	stream.linear.gather [hbm4b:s10+s4], $0x28, $0x38;
	[tilespmem:$0x16280] =	vst v63  }
0x63: {  	_ =	swait.ge [sflag:s20], $0x28  }
0x64: {  	[sflag:s20] =	ssyncset.done $0x0  }
0x65: {  	[sflag:s20] =	ssyncadd.s32 $0xFFFFFFD8  }
0x66: {  	_ =	swait.ge [sflag:s20], $0x28  }
0x67: {  	[sflag:s20] =	ssyncset.done $0x0  }
0x68: {  	s30 =	simm.s32 $0xA;
	s31 =	sadd.s32 $0x50, s15;
	[sflag:s20] =	ssyncadd.s32 $0xFFFFFFD8  }
.LBB2_6:
0x69: {  	[tilespmem:s22], [sflag:$0x3] =	stream.indirect.gather [hbm4b:s1+s21], $0x80, s4, s21, $0xb8;
	[tilespmem:$0x16280] =	vst v63  }
0x6a: {  	s0 =	smov.u32 s30  }
0x6b: {  	p0 =	sne.s32 s30, $0x4CE;
	s30 =	sadd.s32 $0xA, s30;
	_ =	swait.ge [sflag:s23], $0x1400  }
0x6c: {  	[sflag:s23] =	ssyncset.done $0x0  }
0x6d: {  	[sflag:s23] =	ssyncadd.s32 $0xFFFFEC00  }
0x6e: {  	[spmem:s2] =	stream.indirect.scatter.add.f32 [tilespmem:s22], [sflag:$0x5], $0x80, s17, s21, $0xb8;
	[tilespmem:$0x16280] =	vst v63  }
0x6f: {  	_ =	swait.ge [sflag:s24], $0x1400  }
0x70: {  	s7 =	sshrl.u32 s31, $0x3;
	[sflag:s24] =	ssyncset.done $0x0  }
0x71: {  	s8 =	sadd.s32 s5, s7;
	[sflag:s24] =	ssyncadd.s32 $0xFFFFEC00  }
0x72: {  	[tilespmem:s4], [sflag:$0x1] =	stream.linear.gather [hbm4b:s8+s4], $0x28, $0x38;
	[tilespmem:$0x16280] =	vst v63  }
0x73: {  	s7 =	sadd.s32 s6, s7  }
0x74: {  	[tilespmem:s17], [sflag:$0x1] =	stream.linear.gather [hbm4b:s7+s4], $0x28, $0x38;
	[tilespmem:$0x16280] =	vst v63  }
0x75: {  	_ =	swait.ge [sflag:s25], $0x28  }
0x76: {  	[sflag:s25] =	ssyncset.done $0x0  }
0x77: {  	[sflag:s25] =	ssyncadd.s32 $0xFFFFFFD8  }
0x78: {  	_ =	swait.ge [sflag:s25], $0x28  }
0x79: {  	[sflag:s25] =	ssyncset.done $0x0  }
0x7a: {  	[sflag:s25] =	ssyncadd.s32 $0xFFFFFFD8  }
0x7b: {  	[tilespmem:s26], [sflag:$0x4] =	stream.indirect.gather [hbm4b:s1+s21], $0x80, s18, s21, $0xb8;
	[tilespmem:$0x16280] =	vst v63  }
0x7c: {  	_ =	swait.ge [sflag:s28], $0x1400  }
0x7d: {  	[sflag:s28] =	ssyncset.done $0x0  }
0x7e: {  	[sflag:s28] =	ssyncadd.s32 $0xFFFFEC00  }
0x7f: {  	[spmem:s2] =	stream.indirect.scatter.add.f32 [tilespmem:s26], [sflag:$0x5], $0x80, s19, s21, $0xb8;
	[tilespmem:$0x16280] =	vst v63  }
0x80: {  	_ =	swait.ge [sflag:s24], $0x1400  }
0x81: {  	[sflag:s24] =	ssyncset.done $0x0  }
0x82: {  	s7 =	sadd.s32 s0, s14;
	[sflag:s24] =	ssyncadd.s32 $0xFFFFEC00  }
0x83: {  	[tilespmem:s18], [sflag:$0x2] =	stream.linear.gather [hbm4b:s7+s4], $0x28, $0x38;
	[tilespmem:$0x16280] =	vst v63  }
0x84: {  	s0 =	sadd.s32 s0, s13  }
0x85: {  	[tilespmem:s19], [sflag:$0x2] =	stream.linear.gather [hbm4b:s0+s4], $0x28, $0x38;
	[tilespmem:$0x16280] =	vst v63  }
0x86: {  	_ =	swait.ge [sflag:s20], $0x28  }
.Ltmp2:
0x87: {  	[sflag:s20] =	ssyncset.done $0x0;
	(pc) =	sbr.rel @p0 .LBB2_6-.Ltmp2, $4  }
0x88: {  	[sflag:s20] =	ssyncadd.s32 $0xFFFFFFD8  }
0x89: {  	_ =	swait.ge [sflag:s20], $0x28  }
0x8a: {  	[sflag:s20] =	ssyncset.done $0x0  }
0x8b: {  	s31 =	sadd.s32 $0x50, s31;
	[sflag:s20] =	ssyncadd.s32 $0xFFFFFFD8  }
0x8c: {  	[tilespmem:s22], [sflag:$0x3] =	stream.indirect.gather [hbm4b:s1+s21], $0x80, s4, s21, $0xb8;
	[tilespmem:$0x16280] =	vst v63  }
0x8d: {  	_ =	swait.ge [sflag:s23], $0x1400  }
0x8e: {  	[sflag:s23] =	ssyncset.done $0x0  }
0x8f: {  	[sflag:s23] =	ssyncadd.s32 $0xFFFFEC00  }
0x90: {  	[spmem:s2] =	stream.indirect.scatter.add.f32 [tilespmem:s22], [sflag:$0x5], $0x80, s17, s21, $0xb8;
	[tilespmem:$0x16280] =	vst v63  }
0x91: {  	_ =	swait.ge [sflag:s24], $0x1400  }
0x92: {  	[sflag:s24] =	ssyncset.done $0x0  }
0x93: {  	[sflag:s24] =	ssyncadd.s32 $0xFFFFEC00  }
0x94: {  	_ =	swait.ge [sflag:s25], $0x28  }
0x95: {  	[sflag:s25] =	ssyncset.done $0x0  }
0x96: {  	[sflag:s25] =	ssyncadd.s32 $0xFFFFFFD8  }
0x97: {  	_ =	swait.ge [sflag:s25], $0x28  }
0x98: {  	[sflag:s25] =	ssyncset.done $0x0  }
0x99: {  	[sflag:s25] =	ssyncadd.s32 $0xFFFFFFD8  }
0x9a: {  	[tilespmem:s26], [sflag:$0x4] =	stream.indirect.gather [hbm4b:s1+s21], $0x80, s18, s21, $0xb8;
	[tilespmem:$0x16280] =	vst v63  }
0x9b: {  	_ =	swait.ge [sflag:s28], $0x1400  }
0x9c: {  	[sflag:s28] =	ssyncset.done $0x0  }
0x9d: {  	[sflag:s28] =	ssyncadd.s32 $0xFFFFEC00  }
0x9e: {  	[spmem:s2] =	stream.indirect.scatter.add.f32 [tilespmem:s26], [sflag:$0x5], $0x80, s19, s21, $0xb8;
	[tilespmem:$0x16280] =	vst v63  }
0x9f: {  	s0 =	sadd.s32 $0x0, s3;
	_ =	swait.ge [sflag:s24], $0x1400  }
0xa0: {  	p0 =	sgt.u32 s0, $0xF9;
	[sflag:s24] =	ssyncset.done $0x0  }
0xa1: {  	s0 =	simm.s32 @!p0 $0x200;
	[sflag:s24] =	ssyncadd.s32 $0xFFFFEC00  }
0xa2: {  	s7 =	simm.s32 @!p0 $0x6;
	p0 =	por p0, p0;
	[bflag:$0x0] =	sbarrier.arrive $0xFFFF  }
0xa3: {  	[tilespmem:s0], [sflag:$0x6] =	stream.linear.gather @!p0 [spmem:s12], $0x1400, $0x38;
	[tilespmem:$0x16280] =	vst v63  }
0xa4: {  	_ =	swait.ge @!p0 [sflag:s7], $0x1400  }
0xa5: {  	s31 =	simm.s32 $0x20;
	[sflag:s7] =	ssyncset.done @!p0 $0x0  }
0xa6: {  	s8 =	simm.s32 @!p0 $0x0;
	[sflag:s7] =	ssyncadd.s32 @!p0 $0xFFFFEC00;
	s7 =	simm.s32 @!p0 $0x5  }
0xa7: {  	[hbm4b:s16+s8] =	stream.linear.scatter @!p0 [tilespmem:s0], [sflag:$0x5], $0x1400, $0x38;
	[tilespmem:$0x16280] =	vst v63  }
0xa8: {  	s10 =	sadd.s32 $0x10, s3;
	s30 =	sadd.s32 $0x2800, s16;
	_ =	swait.ge @!p0 [sflag:s7], $0x1400  }
0xa9: {  	p1 =	sgt.u32 s10, $0xF9;
	s0 =	sadd.s32 $0x14000, s12;
	[sflag:s7] =	ssyncset.done @!p0 $0x0  }
.LBB2_8:
0xaa: {  	s8 =	simm.s32 @!p1 $0x200;
	s9 =	simm.s32 @!p1 $0x6;
	[sflag:s7] =	ssyncadd.s32 @!p0 $0xFFFFEC00  }
0xab: {  	s10 =	smov.u32 s31;
	p0 =	por p1, p1;
	s31 =	sadd.s32 $0x10, s31  }
0xac: {  	[tilespmem:s8], [sflag:$0x6] =	stream.linear.gather @!p0 [spmem:s0], $0x1400, $0x38;
	[tilespmem:$0x16280] =	vst v63  }
0xad: {  	p2 =	sne.s32 s31, $0x100;
	_ =	swait.ge @!p0 [sflag:s9], $0x1400  }
.Ltmp3:
0xae: {  	[sflag:s9] =	ssyncset.done @!p0 $0x0;
	(pc) =	sbr.rel @p2 .LBB2_8-.Ltmp3, $4  }
0xaf: {  	s7 =	simm.s32 @!p0 $0x5;
	[sflag:s9] =	ssyncadd.s32 @!p0 $0xFFFFEC00;
	s9 =	simm.s32 @!p0 $0x0  }
0xb0: {  	[hbm4b:s30+s9] =	stream.linear.scatter @!p0 [tilespmem:s8], [sflag:$0x5], $0x1400, $0x38;
	[tilespmem:$0x16280] =	vst v63  }
0xb1: {  	s8 =	sadd.s32 s10, s3;
	s30 =	sadd.s32 $0x2800, s30;
	_ =	swait.ge @!p0 [sflag:s7], $0x1400  }
0xb2: {  	s0 =	sadd.s32 $0x14000, s0;
	p1 =	sgt.u32 s8, $0xF9;
	[sflag:s7] =	ssyncset.done @!p0 $0x0  }
0xb3: {  	s8 =	simm.s32 @!p1 $0x200  }
0xb4: {  	s9 =	simm.s32 @!p1 $0x6;
	[sflag:s7] =	ssyncadd.s32 @!p0 $0xFFFFEC00;
	p0 =	por p1, p1  }
0xb5: {  	[tilespmem:s8], [sflag:$0x6] =	stream.linear.gather @!p0 [spmem:s0], $0x1400, $0x38;
	[tilespmem:$0x16280] =	vst v63  }
0xb6: {  	s29 =	sadd.s32 $0x1, s29;
	_ =	swait.ge @!p0 [sflag:s9], $0x1400  }
0xb7: {  	s0 =	simm.s32 @!p0 $0x0;
	p1 =	sne.s32 s29, s11;
	[sflag:s9] =	ssyncset.done @!p0 $0x0  }
.Ltmp4:
0xb8: {  	s7 =	simm.s32 @!p0 $0x5;
	[sflag:s9] =	ssyncadd.s32 @!p0 $0xFFFFEC00;
	(pc) =	sbr.rel @p1 .LBB2_1-.Ltmp4, $4  }
0xb9: {  	[hbm4b:s30+s0] =	stream.linear.scatter @!p0 [tilespmem:s8], [sflag:$0x5], $0x1400, $0x38;
	[tilespmem:$0x16280] =	vst v63  }
0xba: {  	_ =	swait.ge @!p0 [sflag:s7], $0x1400  }
0xbb: {  	[sflag:s7] =	ssyncset.done @!p0 $0x0  }
0xbc: {  	[sflag:s7] =	ssyncadd.s32 @!p0 $0xFFFFEC00  }
0xbd: {  	_ =	sfence.sel $0x180000  }
0xbe: {  	[bflag:$0x0] =	sbarrier.arrive $0xFFFF  }
0xbf: {  	_ =	strace $0x9000004A  }
0xc0: {  	[bflag:$0x2] =	sbarrier.arrive $0xFFFF  }
0xc1: {  	p0 =	sne.s32 s3, $0x0;
	s0 =	rddreg [dreg:$0x3]  }
0xc2: {  	s0 =	sadd.s32 @!p0 $0x100000, s0  }
0xc3: {  	[sflag:s0] =	ssyncadd.tile.s32 @!p0 $0x1;
	_ =	shalt  }
.Lfunc_end2:
_tile_overlayer_lowered:
.L_overlay_start_2:
0xc4: {  	(tag) =	ssettag $0x2  }
0xc5: {  	s0 =	rddreg [dreg:$0x0];
	s2 =	stileid.u32  }
0xc6: {  	s1 =	rddreg [dreg:$0x1];
	p0 =	sne.s32 s2, $0x0  }
0xc7: {  	s3 =	rddreg [dreg:$0x2];
	[bflag:$0x3] =	sbarrier.arrive $0xFFFF;
	s2 =	simm.s32 @!p0 $0x1C05  }
0xc8: {  	[timem:s3], [sflag:s2] =	dma.local @!p0 [hbm:s0], s1  }
0xc9: {  	s0 =	simm.s32 @!p0 $0x5  }
0xca: {  	_ =	swait.ge @!p0 [sflag:s0], s1  }
0xcb: {  	s1 =	ssub.s32 @!p0 $0x0, s1;
	[sflag:s0] =	ssyncset.done @!p0 $0x0  }
0xcc: {  	[sflag:s0] =	ssyncadd.s32 @!p0 s1  }
0xcd: {  	[bflag:$0x3] =	sbarrier.arrive $0xFFFF  }
0xce: {  	_ =	shalt  }

// kernel: kernel.15.cloned.1.call-start
scs
__scs_entry_jumppad:
0x0: {  	(pc) =	sbr.rel $0x88, $3  }
0x1: {  	(tag) =	ssettag $0x0;
	lr =	simm.s32 $0x1  }
0x2: {  	[smem:$0x3F9B] =	sst lr;
	_ =	strace $0xD0000000  }
0x3: {  	_ = 	snop  }
0x4: {  	_ = 	snop  }
0x5: {  	_ = 	snop  }
0x6: {  	_ = 	snop  }
0x7: {  	_ = 	snop  }
__scs_overlays_trampoline_lowered:
0x8: {  	[smem:$0x3FAA] =	sst s0  }
0x9: {  	[smem:$0x3FAB] =	sst s1  }
0xa: {  	[smem:$0x3FAC] =	sst s2  }
0xb: {  	[smem:$0x3FAD] =	sst s3  }
0xc: {  	[smem:$0x3FAE] =	sst s4  }
0xd: {  	[smem:$0x3FAF] =	sst s5  }
0xe: {  	[smem:$0x3FB0] =	sst s6  }
0xf: {  	[smem:$0x3FB1] =	sst s7  }
0x10: {  	[smem:$0x3FB2] =	sst s8  }
0x11: {  	[smem:$0x3FB3] =	sst s9;
	s0 =	simm.s32 @!p0 $0x0  }
0x12: {  	s1 =	sld [smem:$0x3F99];
	s0 =	simm.s32 @p0 $0x1  }
0x13: {  	[smem:$0x3FB4] =	sst s0;
	s0 =	simm.s32 @!p1 $0x0  }
0x14: {  	s2 =	sld [smem:$0x3F98];
	s0 =	simm.s32 @p1 $0x1  }
0x15: {  	[smem:$0x3FB5] =	sst s0;
	s0 =	simm.s32 @!p2 $0x0  }
0x16: {  	s3 =	sld [smem:$0x3FDB];
	s0 =	simm.s32 @p2 $0x1  }
0x17: {  	s4 =	simm.s32 $0x1BF5;
	[smem:$0x3FB7] =	sst s0  }
0x18: {  	s0 =	sld [smem:$0x3F9A];
	_ =	swait.ge [sflag:s4], $0x0  }
0x19: {  	s7 =	sld [smem:$0x3F9B]  }
0x1a: {  	s8 =	sadd.s32 $0xFFFFE003, lr  }
0x1b: {  	s9 =	sadd.s32 $0xFFFFFEF7, lr;
	s5 =	simm.s32 $0xFFFFFFFF;
	p2 =	slt.u32 s8, $0xFFFFF086  }
0x1c: {  	p1 =	slt.u32 s9, $0xF7A;
	s5 =	simm.s32 @!p2 $0x0  }
0x1d: {  	s5 =	simm.s32 @p1 $0x1;
	p0 =	seq.s32 s7, s2  }
0x1e: {  	s7 =	smul.u32 @!p0 $0xF7A, s2;
	p2 =	seq.s32 @!p0 s5, $0x0  }
0x1f: {  	s9 =	smul.u32 $0xF7A, s1;
	s8 =	simm.s32 @!p0 $0x1BF5;
	p2 =	por !p2, p0  }
0x20: {  	[sflag:s8] =	ssyncset.s32 @!p0 $0xFFFFF086;
	s6 =	sadd.s32 @!p0 s3, s7;
	s7 =	simm.s32 @!p0 $0x108  }
0x21: {  	s3 =	sadd.s32 s3, s9;
	s6 =	sadd.s32 @!p0 $0x88, s6;
	s7 =	simm.s32 @p2 $0x1082  }
0x22: {  	[simem:s7], [sflag:s8] =	dma.local @!p0 [hbm:s6], $0xF7A  }
0x23: {  	s9 =	sor.u32 $0xD0000000, s2;
	s6 =	simm.s32 $0x108;
	_ =	swait.ge @!p0 [sflag:s8], $0x0  }
0x24: {  	s3 =	sadd.s32 $0x88, s3;
	s6 =	simm.s32 @!p1 $0x1082;
	[sflag:s4] =	ssyncset.s32 $0xFFFFF086  }
0x25: {  	[simem:s6], [sflag:s4] =	dma.local [hbm:s3], $0xF7A  }
0x26: {  	[smem:$0x3F9B] =	sst s1;
	(tag) =	ssettag s2;
	_ =	strace s9  }
0x27: {  	s1 =	sld [smem:$0x3FAB]  }
0x28: {  	s2 =	sld [smem:$0x3FAC]  }
0x29: {  	s4 =	sld [smem:$0x3FAE]  }
0x2a: {  	p0 =	seq.s32 s5, $0x0;
	s5 =	sld [smem:$0x3FAF]  }
0x2b: {  	s6 =	sld [smem:$0x3FB0]  }
0x2c: {  	s7 =	sld [smem:$0x3FB1]  }
0x2d: {  	s3 =	simm.s32 $0x108;
	s8 =	sld [smem:$0x3FB2]  }
0x2e: {  	s3 =	simm.s32 @!p0 $0x1082;
	s9 =	sld [smem:$0x3FB3]  }
0x2f: {  	lr =	sadd.s32 s0, s3;
	s0 =	sld [smem:$0x3FAA]  }
0x30: {  	s3 =	sld [smem:$0x3FAD]  }
0x31: {  	[smem:$0x3FB6] =	sst s10  }
0x32: {  	s10 =	sld [smem:$0x3FB4];
	_ =	sdelay $0x3  }
0x33: {  	p0 =	seq.s32 s10, $0x1;
	s10 =	sld [smem:$0x3FB6];
	_ =	sdelay $0x3  }
0x34: {  	[smem:$0x3FB6] =	sst s10  }
0x35: {  	s10 =	sld [smem:$0x3FB5];
	_ =	sdelay $0x3  }
0x36: {  	p1 =	seq.s32 s10, $0x1;
	s10 =	sld [smem:$0x3FB6];
	_ =	sdelay $0x3  }
0x37: {  	[smem:$0x3FB6] =	sst s10  }
0x38: {  	s10 =	sld [smem:$0x3FB7]  }
0x39: {  	_ = 	snop;
	(pc) =	sbr.ind lr, $3  }
0x3a: {  	_ = 	snop  }
0x3b: {  	_ = 	snop  }
0x3c: {  	p2 =	seq.s32 s10, $0x1;
	s10 =	sld [smem:$0x3FB6]  }
0x3d: {  	_ =	shalt  }
0x3e: {  	_ =	shalt  }
0x3f: {  	_ =	shalt  }
0x40: {  	_ =	shalt  }
0x41: {  	_ =	shalt  }
0x42: {  	_ =	shalt  }
0x43: {  	_ =	shalt  }
0x44: {  	_ =	shalt  }
0x45: {  	_ =	shalt  }
0x46: {  	_ =	shalt  }
0x47: {  	_ =	shalt  }
0x48: {  	_ =	shalt  }
0x49: {  	_ =	shalt  }
0x4a: {  	_ =	shalt  }
0x4b: {  	_ =	shalt  }
0x4c: {  	_ =	shalt  }
0x4d: {  	_ =	shalt  }
0x4e: {  	_ =	shalt  }
0x4f: {  	_ =	shalt  }
0x50: {  	_ =	shalt  }
0x51: {  	_ =	shalt  }
0x52: {  	_ =	shalt  }
0x53: {  	_ =	shalt  }
0x54: {  	_ =	shalt  }
0x55: {  	_ =	shalt  }
0x56: {  	_ =	shalt  }
0x57: {  	_ =	shalt  }
0x58: {  	_ =	shalt  }
0x59: {  	_ =	shalt  }
0x5a: {  	_ =	shalt  }
0x5b: {  	_ =	shalt  }
0x5c: {  	_ =	shalt  }
0x5d: {  	_ =	shalt  }
0x5e: {  	_ =	shalt  }
0x5f: {  	_ =	shalt  }
0x60: {  	_ =	shalt  }
0x61: {  	_ =	shalt  }
0x62: {  	_ =	shalt  }
0x63: {  	_ =	shalt  }
0x64: {  	_ =	shalt  }
0x65: {  	_ =	shalt  }
0x66: {  	_ =	shalt  }
0x67: {  	_ =	shalt  }
0x68: {  	_ =	shalt  }
0x69: {  	_ =	shalt  }
0x6a: {  	_ =	shalt  }
0x6b: {  	_ =	shalt  }
0x6c: {  	_ =	shalt  }
0x6d: {  	_ =	shalt  }
0x6e: {  	_ =	shalt  }
0x6f: {  	_ =	shalt  }
0x70: {  	_ =	shalt  }
0x71: {  	_ =	shalt  }
0x72: {  	_ =	shalt  }
0x73: {  	_ =	shalt  }
0x74: {  	_ =	shalt  }
0x75: {  	_ =	shalt  }
0x76: {  	_ =	shalt  }
0x77: {  	_ =	shalt  }
0x78: {  	_ =	shalt  }
0x79: {  	_ =	shalt  }
0x7a: {  	_ =	shalt  }
0x7b: {  	_ =	shalt  }
0x7c: {  	_ =	shalt  }
0x7d: {  	_ =	shalt  }
0x7e: {  	_ =	shalt  }
0x7f: {  	_ =	shalt  }
0x80: {  	_ =	shalt  }
0x81: {  	_ =	shalt  }
0x82: {  	_ =	shalt  }
0x83: {  	_ =	shalt  }
0x84: {  	_ =	shalt  }
0x85: {  	_ =	shalt  }
0x86: {  	_ =	shalt  }
0x87: {  	_ =	shalt  }
.Lfunc_end0:
.L_simem_size_0:
called_computation.2_lowered:
.L_overlay_start_0:
0x88: {  	s2 =	sld [smem:$0x3FD9]  }
0x89: {  	s3 =	sld [smem:$0x3FFE];
	_ =	sdelay $0x1  }
0x8a: {  	s1 =	srdreg.scid  }
0x8b: {  	s0 =	sand.u32 $0x1, s1  }
0x8c: {  	s17 =	sshll.u32 s0, $0xA;
	s2 =	sadd.s32 s3, s2  }
0x8d: {  	s2 =	sadd.s32 s2, s17  }
0x8e: {  	[smem:$0x3FC2] =	sst s2  }
0x8f: {  	_ = 	snop  }
0x90: {  	s2 =	sld [smem:$0x3FD0];
	(tm) =	ssettm $0x1  }
0x91: {  	s18 =	sld [smem:$0x3FFB];
	_ =	sdelay $0x3  }
0x92: {  	_ =	strace s18  }
0x93: {  	s3 =	sld [smem:$0x3FFC];
	_ =	sdelay $0x3  }
0x94: {  	_ =	strace s3  }
0x95: {  	s3 =	sld [smem:$0x3FFD];
	_ =	sdelay $0x3  }
0x96: {  	_ =	strace s3  }
0x97: {  	_ =	strace $0x8FFFFFFF  }
0x98: {  	s19 =	sld [smem:$0x3FDB];
	_ =	sdelay $0x1  }
0x99: {  	s4 =	simm.s32 $_scs_section_size  }
0x9a: {  	s5 =	simm.s32 $_size__tile_overlayer_lowered;
	s6 =	simm.s32 $_tile_overlayer_lowered  }
0x9b: {  	s22 =	simm.s32 $0x1BFF;
	s21 =	sshll.u32 s6, $0x1;
	s3 =	sadd.s32 s4, s19  }
0x9c: {  	s7 =	simm.s32 $0x0;
	s20 =	sshll.u32 s5, $0x1;
	s5 =	sadd.s32 s21, s3  }
0x9d: {  	[timem:s7], [sflag:s22] =	dma.local [hbm:s5], s20  }
0x9e: {  	_ =	swait.ge [sflag:s22], s20  }
0x9f: {  	s4 =	ssub.s32 $0x0, s20;
	[sflag:s22] =	ssyncset.done $0x0  }
0xa0: {  	[sflag:s22] =	ssyncadd.s32 s4;
	_ =	sdelay $0x1  }
0xa1: {  	s23 =	simm.s32 $0x1B8B  }
0xa2: {  	_ =	swait.ge [sflag:s23], $0x1  }
0xa3: {  	[sflag:s23] =	ssyncset.done $0x0  }
0xa4: {  	s25 =	simm.s32 $0x1B8E;
	s24 =	sld [smem:$0x3FFE];
	[sflag:s23] =	ssyncadd.s32 $0xFFFFFFFF  }
0xa5: {  	s26 =	simm.s32 $execute0_lowered;
	[smem:$0x3FD2] =	sst s25  }
0xa6: {  	s5 =	sshll.u32 s26, $0x1;
	_ =	strace $0x8000004C;
	[dreg:$0x1] =	wrdreg $0xFFFFFFFF  }
0xa7: {  	s28 =	simm.s32 $_size_execute0_lowered;
	s3 =	sadd.s32 s3, s5;
	[dreg:$0x0] =	wrdreg $0x0  }
0xa8: {  	s5 =	sshll.u32 s28, $0x1;
	[dreg:$0x2] =	wrdreg s3  }
0xa9: {  	[dreg:$0x3] =	wrdreg s5  }
0xaa: {  	[dreg:$0x4] =	wrdreg $0xC0  }
0xab: {  	_ =	task [dreg:s7], $0x5FFFF  }
0xac: {  	[dreg:$0x1] =	wrdreg $0xFFFFFFFF  }
0xad: {  	[dreg:$0x0] =	wrdreg $0x60  }
0xae: {  	[dreg:$0x2] =	wrdreg s2  }
0xaf: {  	[dreg:$0x3] =	wrdreg s24  }
0xb0: {  	[dreg:$0x4] =	wrdreg $0x2A000  }
0xb1: {  	[dreg:$0x5] =	wrdreg $0x9  }
0xb2: {  	_ =	task.clear_ibuf [dreg:s7], $0x6FFFF;
	_ =	strace $0x9000004C  }
0xb3: {  	s29 =	simm.s32 $0x9;
	_ =	strace $0x8000004E  }
0xb4: {  	_ =	swait.ge [sflag:s29], $0x1  }
0xb5: {  	[sflag:s29] =	ssyncadd.s32 $0xFFFFFFFF  }
0xb6: {  	_ =	strace $0x9000004E  }
0xb7: {  	_ =	sfence  }
0xb8: {  	s30 =	sld [smem:$0x0];
	_ =	sdelay $0x2  }
0xb9: {  	s31 =	sshll.u32 s1, $0xD;
	s1 =	sshrl.u32 s1, $0x2  }
0xba: {  	s3 =	sand.u32 $0x4000, s31;
	s1 =	sadd.s32 s1, s30  }
0xbb: {  	s0 =	sor.u32 s3, s0;
	s1 =	sshll.u32 s1, $0x11  }
0xbc: {  	s0 =	sor.u32 s1, s0  }
0xbd: {  	s0 =	sadd.s32 $0x8F2B, s0  }
0xbe: {  	[sflag:s0] =	ssyncadd.remote.s32 $0x1  }
0xbf: {  	_ =	sfence.sel $0xFFFF  }
0xc0: {  	[dreg:$0x0] =	wrdreg $0xFFFFFFFF;
	(pc) =	sbr.abs _section_cstart, $3  }
0xc1: {  	[dreg:$0x1] =	wrdreg $0xFFFFFFFF  }
0xc2: {  	_ =	task.clear_ibuf [dreg:s7], $0x2FFFF;
	_ =	strace $0x9FFFFFFF  }
0xc3: {  	(tm) =	ssettm $0x7FFFFFFF  }
tec
execute0_lowered:
.L_overlay_start_1:
0x0: {  	(tag) =	ssettag $0x1  }
0x1: {  	s1 =	rddreg [dreg:$0x0]  }
0x2: {  	s0 =	rddreg [dreg:$0x1];
	s3 =	srdreg.scid  }
0x3: {  	s2 =	rddreg [dreg:$0x2];
	s7 =	sand.u32 $0x1, s3  }
0x4: {  	s3 =	stileid.u32;
	s8 =	smul.u32 $0x138800, s7  }
0x5: {  	s4 =	simm.s32 $0x0;
	s28 =	simm.s32 $0x4;
	s9 =	smul.u32 $0x1400, s3  }
0x6: {  	s5 =	sshll.u32 s7, $0x4;
	s18 =	ssub.s32 $0x2, s7;
	s7 =	smul.u32 $0x27100, s7  }
0x7: {  	s29 =	simm.s32 $0x0;
	[smem:$0x7FF] =	sst s4;
	s12 =	smul.u32 $0x2710, s3  }
0x8: {  	s6 =	sadd.s32 $0x2E00, s0;
	s14 =	smul.u32 $0x5000, s3;
	s10 =	sor.u32 s3, s5  }
0x9: {  	_ =	strace $0x8000004D;
	s5 =	sadd.s32 $0xCC00, s0;
	s11 =	smul.u32 $0x4E2, s10  }
0xa: {  	s19 =	sshrl.u32 s18, $0x1;
	s8 =	sadd.s32 s9, s8;
	s17 =	smul.u32 $0x2710, s10  }
0xb: {  	s13 =	ssub.s32 s18, s19;
	s7 =	sadd.s32 s12, s7;
	s30 =	sshrl.u32 s14, $0x2  }
0xc: {  	s18 =	simm.s32 $0x100;
	s19 =	simm.s32 $0x180;
	s8 =	sshrl.u32 s8, $0x3  }
0xd: {  	s25 =	sadd.s32 $0x78, s7;
	s12 =	sadd.s32 s30, s2;
	s15 =	sadd.s32 $0x50, s7  }
0xe: {  	s0 =	sadd.s32 s8, s0;
	s20 =	sadd.s32 s5, s11;
	s21 =	sadd.s32 $0x28, s17  }
0xf: {  	s23 =	sadd.s32 s6, s11;
	s31 =	sshrl.u32 s25, $0x3;
	s11 =	smax.u32 s13, $0x1  }
0x10: {  	s17 =	simm.s32 $0x80;
	s25 =	simm.s32 $0x2;
	[dreg:$0x4] =	wrdreg s20  }
0x11: {  	s22 =	sshrl.u32 s21, $0x3;
	[dreg:$0x5] =	wrdreg s23;
	s13 =	sadd.s32 s31, s6  }
0x12: {  	s14 =	sadd.s32 s31, s5;
	s16 =	sadd.s32 $0x16A00, s0;
	s20 =	simm.s32 $0x1  }
0x13: {  	s21 =	simm.s32 $0x28;
	s23 =	simm.s32 $0x3;
	s24 =	sadd.s32 s5, s22  }
0x14: {  	s26 =	sadd.s32 s6, s22;
	s22 =	simm.s32 $0x200;
	[dreg:$0x6] =	wrdreg s24  }
0x15: {  	v0 =	vimm.f32 $0.0e+00;
	[dreg:$0x7] =	wrdreg s26;
	s24 =	simm.s32 $0x5;
	s26 =	simm.s32 $0x1600  }
.LBB2_1:
0x16: {  	s0 =	simm.s32 $0x70;
	s7 =	simm.s32 $0x3C0  }
.LBB2_2:
0x17: {  	p0 =	sne.s32 s7, $0x4FC0;
	[tilespmem:s0+$0x200] =	vst v0  }
0x18: {  	[tilespmem:s0+$0x190] =	vst v0  }
0x19: {  	[tilespmem:s0+$0x1A0] =	vst v0  }
.Ltmp0:
0x1a: {  	[tilespmem:s0+$0x1B0] =	vst v0;
	(pc) =	sbr.rel @p0 .LBB2_2-.Ltmp0, $4  }
0x1b: {  	[tilespmem:s0+$0x1C0] =	vst v0  }
0x1c: {  	[tilespmem:s0+$0x1D0] =	vst v0  }
0x1d: {  	[tilespmem:s0+$0x1E0] =	vst v0  }
0x1e: {  	[tilespmem:s0+$0x1F0] =	vst v0;
	s0 =	sshra.s32 s7, $0x2;
	s7 =	sadd.s32 $0x200, s7  }
0x1f: {  	[tilespmem:s0+$0x200] =	vst v0  }
0x20: {  	[tilespmem:s0+$0x190] =	vst v0  }
0x21: {  	[tilespmem:s0+$0x1A0] =	vst v0  }
0x22: {  	[tilespmem:s0+$0x1B0] =	vst v0  }
0x23: {  	[tilespmem:s0+$0x1C0] =	vst v0  }
0x24: {  	[tilespmem:s0+$0x1D0] =	vst v0;
	s7 =	sadd.s32 $0x0, s3  }
0x25: {  	[tilespmem:s0+$0x1E0] =	vst v0;
	p0 =	sgt.u32 s7, $0xF9  }
0x26: {  	[tilespmem:s0+$0x1F0] =	vst v0;
	s0 =	simm.s32 @!p0 $0x200;
	s31 =	simm.s32 @!p0 $0x5  }
0x27: {  	[spmem:s12] =	stream.linear.scatter @!p0 [tilespmem:s0], [sflag:$0x5], $0x1400, $0x38;
	[tilespmem:$0x16280] =	vst v63  }
0x28: {  	s30 =	simm.s32 $0x20;
	_ =	swait.ge @!p0 [sflag:s31], $0x1400  }
0x29: {  	s7 =	simm.s32 $0x10;
	s0 =	sadd.s32 $0x14000, s12;
	[sflag:s31] =	ssyncset.done @!p0 $0x0  }
.LBB2_4:
0x2a: {  	s8 =	sadd.s32 s7, s3;
	s7 =	smov.u32 s30;
	s30 =	sadd.s32 $0x10, s30  }
0x2b: {  	[sflag:s31] =	ssyncadd.s32 @!p0 $0xFFFFEC00;
	p1 =	sne.s32 s30, $0x100  }
.Ltmp1:
0x2c: {  	p0 =	sgt.u32 s8, $0xF9;
	(pc) =	sbr.rel @p1 .LBB2_4-.Ltmp1, $4  }
0x2d: {  	s8 =	simm.s32 @!p0 $0x200;
	s31 =	simm.s32 @!p0 $0x5  }
0x2e: {  	[spmem:s0] =	stream.linear.scatter @!p0 [tilespmem:s8], [sflag:$0x5], $0x1400, $0x38;
	[tilespmem:$0x16280] =	vst v63  }
0x2f: {  	_ =	swait.ge @!p0 [sflag:s31], $0x1400  }
0x30: {  	s0 =	sadd.s32 $0x14000, s0;
	[sflag:s31] =	ssyncset.done @!p0 $0x0  }
0x31: {  	s7 =	sadd.s32 s7, s3  }
0x32: {  	p1 =	sgt.u32 s7, $0xF9  }
0x33: {  	[sflag:s31] =	ssyncadd.s32 @!p0 $0xFFFFEC00;
	s7 =	simm.s32 @!p1 $0x200  }
0x34: {  	[spmem:s0] =	stream.linear.scatter @!p1 [tilespmem:s7], [sflag:$0x5], $0x1400, $0x38;
	[tilespmem:$0x16280] =	vst v63  }
0x35: {  	s0 =	simm.s32 @!p1 $0x5  }
0x36: {  	_ =	swait.ge @!p1 [sflag:s0], $0x1400  }
0x37: {  	[sflag:s0] =	ssyncset.done @!p1 $0x0  }
0x38: {  	s9 =	rddreg [dreg:$0x4];
	[sflag:s0] =	ssyncadd.s32 @!p1 $0xFFFFEC00;
	s0 =	simm.s32 $0x0  }
0x39: {  	[tilespmem:s0], [sflag:$0x1] =	stream.linear.gather [hbm4b:s9+s0], $0x28, $0x38;
	[tilespmem:$0x16280] =	vst v63  }
0x3a: {  	s10 =	rddreg [dreg:$0x5]  }
0x3b: {  	[tilespmem:s17], [sflag:$0x1] =	stream.linear.gather [hbm4b:s10+s0], $0x28, $0x38;
	[tilespmem:$0x16280] =	vst v63  }
0x3c: {  	s8 =	rddreg [dreg:$0x6]  }
0x3d: {  	[tilespmem:s18], [sflag:$0x2] =	stream.linear.gather [hbm4b:s8+s0], $0x28, $0x38;
	[tilespmem:$0x16280] =	vst v63  }
0x3e: {  	s9 =	rddreg [dreg:$0x7]  }
0x3f: {  	[tilespmem:s19], [sflag:$0x2] =	stream.linear.gather [hbm4b:s9+s0], $0x28, $0x38;
	[tilespmem:$0x16280] =	vst v63  }
0x40: {  	[bflag:$0x0] =	sbarrier.arrive $0xFFFF  }
0x41: {  	_ =	swait.ge [sflag:s20], $0x28  }
0x42: {  	[sflag:s20] =	ssyncset.done $0x0  }
0x43: {  	[sflag:s20] =	ssyncadd.s32 $0xFFFFFFD8  }
0x44: {  	_ =	swait.ge [sflag:s20], $0x28  }
0x45: {  	[sflag:s20] =	ssyncset.done $0x0  }
0x46: {  	[sflag:s20] =	ssyncadd.s32 $0xFFFFFFD8  }
0x47: {  	[tilespmem:s22], [sflag:$0x3] =	stream.indirect.gather [hbm4b:s1+s21], $0x80, s0, s21, $0xb8;
	[tilespmem:$0x16280] =	vst v63  }
0x48: {  	_ =	swait.ge [sflag:s23], $0x1400  }
0x49: {  	[sflag:s23] =	ssyncset.done $0x0  }
0x4a: {  	[sflag:s23] =	ssyncadd.s32 $0xFFFFEC00  }
0x4b: {  	[spmem:s2] =	stream.indirect.scatter.add.f32 [tilespmem:s22], [sflag:$0x5], $0x80, s17, s21, $0xb8;
	[tilespmem:$0x16280] =	vst v63  }
0x4c: {  	_ =	swait.ge [sflag:s24], $0x1400  }
0x4d: {  	s10 =	sshrl.u32 s15, $0x3;
	[sflag:s24] =	ssyncset.done $0x0  }
0x4e: {  	s8 =	sadd.s32 s5, s10;
	[sflag:s24] =	ssyncadd.s32 $0xFFFFEC00  }
0x4f: {  	[tilespmem:s4], [sflag:$0x1] =	stream.linear.gather [hbm4b:s8+s4], $0x28, $0x38;
	[tilespmem:$0x16280] =	vst v63  }
0x50: {  	s0 =	sadd.s32 s6, s10  }
0x51: {  	[tilespmem:s17], [sflag:$0x1] =	stream.linear.gather [hbm4b:s0+s4], $0x28, $0x38;
	[tilespmem:$0x16280] =	vst v63  }
0x52: {  	_ =	swait.ge [sflag:s25], $0x28  }
0x53: {  	[sflag:s25] =	ssyncset.done $0x0  }
0x54: {  	[sflag:s25] =	ssyncadd.s32 $0xFFFFFFD8  }
0x55: {  	_ =	swait.ge [sflag:s25], $0x28  }
0x56: {  	[sflag:s25] =	ssyncset.done $0x0  }
0x57: {  	[sflag:s25] =	ssyncadd.s32 $0xFFFFFFD8  }
0x58: {  	[tilespmem:s26], [sflag:$0x4] =	stream.indirect.gather [hbm4b:s1+s21], $0x80, s18, s21, $0xb8;
	[tilespmem:$0x16280] =	vst v63  }
0x59: {  	_ =	swait.ge [sflag:s28], $0x1400  }
0x5a: {  	[sflag:s28] =	ssyncset.done $0x0  }
0x5b: {  	[sflag:s28] =	ssyncadd.s32 $0xFFFFEC00  }
0x5c: {  	[spmem:s2] =	stream.indirect.scatter.add.f32 [tilespmem:s26], [sflag:$0x5], $0x80, s19, s21, $0xb8;
	[tilespmem:$0x16280] =	vst v63  }
0x5d: {  	_ =	swait.ge [sflag:s24], $0x1400  }
0x5e: {  	[sflag:s24] =	ssyncset.done $0x0  }
0x5f: {  	s9 =	sadd.s32 $0x0, s14;
	[sflag:s24] =	ssyncadd.s32 $0xFFFFEC00  }
0x60: {  	[tilespmem:s18], [sflag:$0x2] =	stream.linear.gather [hbm4b:s9+s4], $0x28, $0x38;
	[tilespmem:$0x16280] =	vst v63  }
0x61: {  	s10 =	sadd.s32 $0x0, s13  }
0x62: {  	[tilespmem:s19], [sflag:$0x2] =	stream.linear.gather [hbm4b:s10+s4], $0x28, $0x38;
	[tilespmem:$0x16280] =	vst v63  }
0x63: {  	_ =	swait.ge [sflag:s20], $0x28  }
0x64: {  	[sflag:s20] =	ssyncset.done $0x0  }
0x65: {  	[sflag:s20] =	ssyncadd.s32 $0xFFFFFFD8  }
0x66: {  	_ =	swait.ge [sflag:s20], $0x28  }
0x67: {  	[sflag:s20] =	ssyncset.done $0x0  }
0x68: {  	s30 =	simm.s32 $0xA;
	s31 =	sadd.s32 $0x50, s15;
	[sflag:s20] =	ssyncadd.s32 $0xFFFFFFD8  }
.LBB2_6:
0x69: {  	[tilespmem:s22], [sflag:$0x3] =	stream.indirect.gather [hbm4b:s1+s21], $0x80, s4, s21, $0xb8;
	[tilespmem:$0x16280] =	vst v63  }
0x6a: {  	s0 =	smov.u32 s30  }
0x6b: {  	p0 =	sne.s32 s30, $0x4CE;
	s30 =	sadd.s32 $0xA, s30;
	_ =	swait.ge [sflag:s23], $0x1400  }
0x6c: {  	[sflag:s23] =	ssyncset.done $0x0  }
0x6d: {  	[sflag:s23] =	ssyncadd.s32 $0xFFFFEC00  }
0x6e: {  	[spmem:s2] =	stream.indirect.scatter.add.f32 [tilespmem:s22], [sflag:$0x5], $0x80, s17, s21, $0xb8;
	[tilespmem:$0x16280] =	vst v63  }
0x6f: {  	_ =	swait.ge [sflag:s24], $0x1400  }
0x70: {  	s7 =	sshrl.u32 s31, $0x3;
	[sflag:s24] =	ssyncset.done $0x0  }
0x71: {  	s8 =	sadd.s32 s5, s7;
	[sflag:s24] =	ssyncadd.s32 $0xFFFFEC00  }
0x72: {  	[tilespmem:s4], [sflag:$0x1] =	stream.linear.gather [hbm4b:s8+s4], $0x28, $0x38;
	[tilespmem:$0x16280] =	vst v63  }
0x73: {  	s7 =	sadd.s32 s6, s7  }
0x74: {  	[tilespmem:s17], [sflag:$0x1] =	stream.linear.gather [hbm4b:s7+s4], $0x28, $0x38;
	[tilespmem:$0x16280] =	vst v63  }
0x75: {  	_ =	swait.ge [sflag:s25], $0x28  }
0x76: {  	[sflag:s25] =	ssyncset.done $0x0  }
0x77: {  	[sflag:s25] =	ssyncadd.s32 $0xFFFFFFD8  }
0x78: {  	_ =	swait.ge [sflag:s25], $0x28  }
0x79: {  	[sflag:s25] =	ssyncset.done $0x0  }
0x7a: {  	[sflag:s25] =	ssyncadd.s32 $0xFFFFFFD8  }
0x7b: {  	[tilespmem:s26], [sflag:$0x4] =	stream.indirect.gather [hbm4b:s1+s21], $0x80, s18, s21, $0xb8;
	[tilespmem:$0x16280] =	vst v63  }
0x7c: {  	_ =	swait.ge [sflag:s28], $0x1400  }
0x7d: {  	[sflag:s28] =	ssyncset.done $0x0  }
0x7e: {  	[sflag:s28] =	ssyncadd.s32 $0xFFFFEC00  }
0x7f: {  	[spmem:s2] =	stream.indirect.scatter.add.f32 [tilespmem:s26], [sflag:$0x5], $0x80, s19, s21, $0xb8;
	[tilespmem:$0x16280] =	vst v63  }
0x80: {  	_ =	swait.ge [sflag:s24], $0x1400  }
0x81: {  	[sflag:s24] =	ssyncset.done $0x0  }
0x82: {  	s7 =	sadd.s32 s0, s14;
	[sflag:s24] =	ssyncadd.s32 $0xFFFFEC00  }
0x83: {  	[tilespmem:s18], [sflag:$0x2] =	stream.linear.gather [hbm4b:s7+s4], $0x28, $0x38;
	[tilespmem:$0x16280] =	vst v63  }
0x84: {  	s0 =	sadd.s32 s0, s13  }
0x85: {  	[tilespmem:s19], [sflag:$0x2] =	stream.linear.gather [hbm4b:s0+s4], $0x28, $0x38;
	[tilespmem:$0x16280] =	vst v63  }
0x86: {  	_ =	swait.ge [sflag:s20], $0x28  }
.Ltmp2:
0x87: {  	[sflag:s20] =	ssyncset.done $0x0;
	(pc) =	sbr.rel @p0 .LBB2_6-.Ltmp2, $4  }
0x88: {  	[sflag:s20] =	ssyncadd.s32 $0xFFFFFFD8  }
0x89: {  	_ =	swait.ge [sflag:s20], $0x28  }
0x8a: {  	[sflag:s20] =	ssyncset.done $0x0  }
0x8b: {  	s31 =	sadd.s32 $0x50, s31;
	[sflag:s20] =	ssyncadd.s32 $0xFFFFFFD8  }
0x8c: {  	[tilespmem:s22], [sflag:$0x3] =	stream.indirect.gather [hbm4b:s1+s21], $0x80, s4, s21, $0xb8;
	[tilespmem:$0x16280] =	vst v63  }
0x8d: {  	_ =	swait.ge [sflag:s23], $0x1400  }
0x8e: {  	[sflag:s23] =	ssyncset.done $0x0  }
0x8f: {  	[sflag:s23] =	ssyncadd.s32 $0xFFFFEC00  }
0x90: {  	[spmem:s2] =	stream.indirect.scatter.add.f32 [tilespmem:s22], [sflag:$0x5], $0x80, s17, s21, $0xb8;
	[tilespmem:$0x16280] =	vst v63  }
0x91: {  	_ =	swait.ge [sflag:s24], $0x1400  }
0x92: {  	[sflag:s24] =	ssyncset.done $0x0  }
0x93: {  	[sflag:s24] =	ssyncadd.s32 $0xFFFFEC00  }
0x94: {  	_ =	swait.ge [sflag:s25], $0x28  }
0x95: {  	[sflag:s25] =	ssyncset.done $0x0  }
0x96: {  	[sflag:s25] =	ssyncadd.s32 $0xFFFFFFD8  }
0x97: {  	_ =	swait.ge [sflag:s25], $0x28  }
0x98: {  	[sflag:s25] =	ssyncset.done $0x0  }
0x99: {  	[sflag:s25] =	ssyncadd.s32 $0xFFFFFFD8  }
0x9a: {  	[tilespmem:s26], [sflag:$0x4] =	stream.indirect.gather [hbm4b:s1+s21], $0x80, s18, s21, $0xb8;
	[tilespmem:$0x16280] =	vst v63  }
0x9b: {  	_ =	swait.ge [sflag:s28], $0x1400  }
0x9c: {  	[sflag:s28] =	ssyncset.done $0x0  }
0x9d: {  	[sflag:s28] =	ssyncadd.s32 $0xFFFFEC00  }
0x9e: {  	[spmem:s2] =	stream.indirect.scatter.add.f32 [tilespmem:s26], [sflag:$0x5], $0x80, s19, s21, $0xb8;
	[tilespmem:$0x16280] =	vst v63  }
0x9f: {  	s0 =	sadd.s32 $0x0, s3;
	_ =	swait.ge [sflag:s24], $0x1400  }
0xa0: {  	p0 =	sgt.u32 s0, $0xF9;
	[sflag:s24] =	ssyncset.done $0x0  }
0xa1: {  	s0 =	simm.s32 @!p0 $0x200;
	[sflag:s24] =	ssyncadd.s32 $0xFFFFEC00  }
0xa2: {  	s7 =	simm.s32 @!p0 $0x6;
	p0 =	por p0, p0;
	[bflag:$0x0] =	sbarrier.arrive $0xFFFF  }
0xa3: {  	[tilespmem:s0], [sflag:$0x6] =	stream.linear.gather @!p0 [spmem:s12], $0x1400, $0x38;
	[tilespmem:$0x16280] =	vst v63  }
0xa4: {  	_ =	swait.ge @!p0 [sflag:s7], $0x1400  }
0xa5: {  	s31 =	simm.s32 $0x20;
	[sflag:s7] =	ssyncset.done @!p0 $0x0  }
0xa6: {  	s8 =	simm.s32 @!p0 $0x0;
	[sflag:s7] =	ssyncadd.s32 @!p0 $0xFFFFEC00;
	s7 =	simm.s32 @!p0 $0x5  }
0xa7: {  	[hbm4b:s16+s8] =	stream.linear.scatter @!p0 [tilespmem:s0], [sflag:$0x5], $0x1400, $0x38;
	[tilespmem:$0x16280] =	vst v63  }
0xa8: {  	s10 =	sadd.s32 $0x10, s3;
	s30 =	sadd.s32 $0x2800, s16;
	_ =	swait.ge @!p0 [sflag:s7], $0x1400  }
0xa9: {  	p1 =	sgt.u32 s10, $0xF9;
	s0 =	sadd.s32 $0x14000, s12;
	[sflag:s7] =	ssyncset.done @!p0 $0x0  }
.LBB2_8:
0xaa: {  	s8 =	simm.s32 @!p1 $0x200;
	s9 =	simm.s32 @!p1 $0x6;
	[sflag:s7] =	ssyncadd.s32 @!p0 $0xFFFFEC00  }
0xab: {  	s10 =	smov.u32 s31;
	p0 =	por p1, p1;
	s31 =	sadd.s32 $0x10, s31  }
0xac: {  	[tilespmem:s8], [sflag:$0x6] =	stream.linear.gather @!p0 [spmem:s0], $0x1400, $0x38;
	[tilespmem:$0x16280] =	vst v63  }
0xad: {  	p2 =	sne.s32 s31, $0x100;
	_ =	swait.ge @!p0 [sflag:s9], $0x1400  }
.Ltmp3:
0xae: {  	[sflag:s9] =	ssyncset.done @!p0 $0x0;
	(pc) =	sbr.rel @p2 .LBB2_8-.Ltmp3, $4  }
0xaf: {  	s7 =	simm.s32 @!p0 $0x5;
	[sflag:s9] =	ssyncadd.s32 @!p0 $0xFFFFEC00;
	s9 =	simm.s32 @!p0 $0x0  }
0xb0: {  	[hbm4b:s30+s9] =	stream.linear.scatter @!p0 [tilespmem:s8], [sflag:$0x5], $0x1400, $0x38;
	[tilespmem:$0x16280] =	vst v63  }
0xb1: {  	s8 =	sadd.s32 s10, s3;
	s30 =	sadd.s32 $0x2800, s30;
	_ =	swait.ge @!p0 [sflag:s7], $0x1400  }
0xb2: {  	s0 =	sadd.s32 $0x14000, s0;
	p1 =	sgt.u32 s8, $0xF9;
	[sflag:s7] =	ssyncset.done @!p0 $0x0  }
0xb3: {  	s8 =	simm.s32 @!p1 $0x200  }
0xb4: {  	s9 =	simm.s32 @!p1 $0x6;
	[sflag:s7] =	ssyncadd.s32 @!p0 $0xFFFFEC00;
	p0 =	por p1, p1  }
0xb5: {  	[tilespmem:s8], [sflag:$0x6] =	stream.linear.gather @!p0 [spmem:s0], $0x1400, $0x38;
	[tilespmem:$0x16280] =	vst v63  }
0xb6: {  	s29 =	sadd.s32 $0x1, s29;
	_ =	swait.ge @!p0 [sflag:s9], $0x1400  }
0xb7: {  	s0 =	simm.s32 @!p0 $0x0;
	p1 =	sne.s32 s29, s11;
	[sflag:s9] =	ssyncset.done @!p0 $0x0  }
.Ltmp4:
0xb8: {  	s7 =	simm.s32 @!p0 $0x5;
	[sflag:s9] =	ssyncadd.s32 @!p0 $0xFFFFEC00;
	(pc) =	sbr.rel @p1 .LBB2_1-.Ltmp4, $4  }
0xb9: {  	[hbm4b:s30+s0] =	stream.linear.scatter @!p0 [tilespmem:s8], [sflag:$0x5], $0x1400, $0x38;
	[tilespmem:$0x16280] =	vst v63  }
0xba: {  	_ =	swait.ge @!p0 [sflag:s7], $0x1400  }
0xbb: {  	[sflag:s7] =	ssyncset.done @!p0 $0x0  }
0xbc: {  	[sflag:s7] =	ssyncadd.s32 @!p0 $0xFFFFEC00  }
0xbd: {  	_ =	sfence.sel $0x180000  }
0xbe: {  	[bflag:$0x0] =	sbarrier.arrive $0xFFFF  }
0xbf: {  	_ =	strace $0x9000004D  }
0xc0: {  	[bflag:$0x2] =	sbarrier.arrive $0xFFFF  }
0xc1: {  	p0 =	sne.s32 s3, $0x0;
	s0 =	rddreg [dreg:$0x3]  }
0xc2: {  	s0 =	sadd.s32 @!p0 $0x100000, s0  }
0xc3: {  	[sflag:s0] =	ssyncadd.tile.s32 @!p0 $0x1;
	_ =	shalt  }
.Lfunc_end2:
_tile_overlayer_lowered:
.L_overlay_start_2:
0xc4: {  	(tag) =	ssettag $0x2  }
0xc5: {  	s0 =	rddreg [dreg:$0x0];
	s2 =	stileid.u32  }
0xc6: {  	s1 =	rddreg [dreg:$0x1];
	p0 =	sne.s32 s2, $0x0  }
0xc7: {  	s3 =	rddreg [dreg:$0x2];
	[bflag:$0x3] =	sbarrier.arrive $0xFFFF;
	s2 =	simm.s32 @!p0 $0x1C05  }
0xc8: {  	[timem:s3], [sflag:s2] =	dma.local @!p0 [hbm:s0], s1  }
0xc9: {  	s0 =	simm.s32 @!p0 $0x5  }
0xca: {  	_ =	swait.ge @!p0 [sflag:s0], s1  }
0xcb: {  	s1 =	ssub.s32 @!p0 $0x0, s1;
	[sflag:s0] =	ssyncset.done @!p0 $0x0  }
0xcc: {  	[sflag:s0] =	ssyncadd.s32 @!p0 s1  }
0xcd: {  	[bflag:$0x3] =	sbarrier.arrive $0xFFFF  }
0xce: {  	_ =	shalt  }

// kernel: kernel.9.cloned.1.call-start
scs
__scs_entry_jumppad:
0x0: {  	(pc) =	sbr.rel $0x88, $3  }
0x1: {  	(tag) =	ssettag $0x0;
	lr =	simm.s32 $0x1  }
0x2: {  	[smem:$0x3F9B] =	sst lr;
	_ =	strace $0xD0000000  }
0x3: {  	_ = 	snop  }
0x4: {  	_ = 	snop  }
0x5: {  	_ = 	snop  }
0x6: {  	_ = 	snop  }
0x7: {  	_ = 	snop  }
__scs_overlays_trampoline_lowered:
0x8: {  	[smem:$0x3FAA] =	sst s0  }
0x9: {  	[smem:$0x3FAB] =	sst s1  }
0xa: {  	[smem:$0x3FAC] =	sst s2  }
0xb: {  	[smem:$0x3FAD] =	sst s3  }
0xc: {  	[smem:$0x3FAE] =	sst s4  }
0xd: {  	[smem:$0x3FAF] =	sst s5  }
0xe: {  	[smem:$0x3FB0] =	sst s6  }
0xf: {  	[smem:$0x3FB1] =	sst s7  }
0x10: {  	[smem:$0x3FB2] =	sst s8  }
0x11: {  	[smem:$0x3FB3] =	sst s9;
	s0 =	simm.s32 @!p0 $0x0  }
0x12: {  	s1 =	sld [smem:$0x3F99];
	s0 =	simm.s32 @p0 $0x1  }
0x13: {  	[smem:$0x3FB4] =	sst s0;
	s0 =	simm.s32 @!p1 $0x0  }
0x14: {  	s2 =	sld [smem:$0x3F98];
	s0 =	simm.s32 @p1 $0x1  }
0x15: {  	[smem:$0x3FB5] =	sst s0;
	s0 =	simm.s32 @!p2 $0x0  }
0x16: {  	s3 =	sld [smem:$0x3FDB];
	s0 =	simm.s32 @p2 $0x1  }
0x17: {  	s4 =	simm.s32 $0x1BF5;
	[smem:$0x3FB7] =	sst s0  }
0x18: {  	s0 =	sld [smem:$0x3F9A];
	_ =	swait.ge [sflag:s4], $0x0  }
0x19: {  	s7 =	sld [smem:$0x3F9B]  }
0x1a: {  	s8 =	sadd.s32 $0xFFFFE003, lr  }
0x1b: {  	s9 =	sadd.s32 $0xFFFFFEF7, lr;
	s5 =	simm.s32 $0xFFFFFFFF;
	p2 =	slt.u32 s8, $0xFFFFF086  }
0x1c: {  	p1 =	slt.u32 s9, $0xF7A;
	s5 =	simm.s32 @!p2 $0x0  }
0x1d: {  	s5 =	simm.s32 @p1 $0x1;
	p0 =	seq.s32 s7, s2  }
0x1e: {  	s7 =	smul.u32 @!p0 $0xF7A, s2;
	p2 =	seq.s32 @!p0 s5, $0x0  }
0x1f: {  	s9 =	smul.u32 $0xF7A, s1;
	s8 =	simm.s32 @!p0 $0x1BF5;
	p2 =	por !p2, p0  }
0x20: {  	[sflag:s8] =	ssyncset.s32 @!p0 $0xFFFFF086;
	s6 =	sadd.s32 @!p0 s3, s7;
	s7 =	simm.s32 @!p0 $0x108  }
0x21: {  	s3 =	sadd.s32 s3, s9;
	s6 =	sadd.s32 @!p0 $0x88, s6;
	s7 =	simm.s32 @p2 $0x1082  }
0x22: {  	[simem:s7], [sflag:s8] =	dma.local @!p0 [hbm:s6], $0xF7A  }
0x23: {  	s9 =	sor.u32 $0xD0000000, s2;
	s6 =	simm.s32 $0x108;
	_ =	swait.ge @!p0 [sflag:s8], $0x0  }
0x24: {  	s3 =	sadd.s32 $0x88, s3;
	s6 =	simm.s32 @!p1 $0x1082;
	[sflag:s4] =	ssyncset.s32 $0xFFFFF086  }
0x25: {  	[simem:s6], [sflag:s4] =	dma.local [hbm:s3], $0xF7A  }
0x26: {  	[smem:$0x3F9B] =	sst s1;
	(tag) =	ssettag s2;
	_ =	strace s9  }
0x27: {  	s1 =	sld [smem:$0x3FAB]  }
0x28: {  	s2 =	sld [smem:$0x3FAC]  }
0x29: {  	s4 =	sld [smem:$0x3FAE]  }
0x2a: {  	p0 =	seq.s32 s5, $0x0;
	s5 =	sld [smem:$0x3FAF]  }
0x2b: {  	s6 =	sld [smem:$0x3FB0]  }
0x2c: {  	s7 =	sld [smem:$0x3FB1]  }
0x2d: {  	s3 =	simm.s32 $0x108;
	s8 =	sld [smem:$0x3FB2]  }
0x2e: {  	s3 =	simm.s32 @!p0 $0x1082;
	s9 =	sld [smem:$0x3FB3]  }
0x2f: {  	lr =	sadd.s32 s0, s3;
	s0 =	sld [smem:$0x3FAA]  }
0x30: {  	s3 =	sld [smem:$0x3FAD]  }
0x31: {  	[smem:$0x3FB6] =	sst s10  }
0x32: {  	s10 =	sld [smem:$0x3FB4];
	_ =	sdelay $0x3  }
0x33: {  	p0 =	seq.s32 s10, $0x1;
	s10 =	sld [smem:$0x3FB6];
	_ =	sdelay $0x3  }
0x34: {  	[smem:$0x3FB6] =	sst s10  }
0x35: {  	s10 =	sld [smem:$0x3FB5];
	_ =	sdelay $0x3  }
0x36: {  	p1 =	seq.s32 s10, $0x1;
	s10 =	sld [smem:$0x3FB6];
	_ =	sdelay $0x3  }
0x37: {  	[smem:$0x3FB6] =	sst s10  }
0x38: {  	s10 =	sld [smem:$0x3FB7]  }
0x39: {  	_ = 	snop;
	(pc) =	sbr.ind lr, $3  }
0x3a: {  	_ = 	snop  }
0x3b: {  	_ = 	snop  }
0x3c: {  	p2 =	seq.s32 s10, $0x1;
	s10 =	sld [smem:$0x3FB6]  }
0x3d: {  	_ =	shalt  }
0x3e: {  	_ =	shalt  }
0x3f: {  	_ =	shalt  }
0x40: {  	_ =	shalt  }
0x41: {  	_ =	shalt  }
0x42: {  	_ =	shalt  }
0x43: {  	_ =	shalt  }
0x44: {  	_ =	shalt  }
0x45: {  	_ =	shalt  }
0x46: {  	_ =	shalt  }
0x47: {  	_ =	shalt  }
0x48: {  	_ =	shalt  }
0x49: {  	_ =	shalt  }
0x4a: {  	_ =	shalt  }
0x4b: {  	_ =	shalt  }
0x4c: {  	_ =	shalt  }
0x4d: {  	_ =	shalt  }
0x4e: {  	_ =	shalt  }
0x4f: {  	_ =	shalt  }
0x50: {  	_ =	shalt  }
0x51: {  	_ =	shalt  }
0x52: {  	_ =	shalt  }
0x53: {  	_ =	shalt  }
0x54: {  	_ =	shalt  }
0x55: {  	_ =	shalt  }
0x56: {  	_ =	shalt  }
0x57: {  	_ =	shalt  }
0x58: {  	_ =	shalt  }
0x59: {  	_ =	shalt  }
0x5a: {  	_ =	shalt  }
0x5b: {  	_ =	shalt  }
0x5c: {  	_ =	shalt  }
0x5d: {  	_ =	shalt  }
0x5e: {  	_ =	shalt  }
0x5f: {  	_ =	shalt  }
0x60: {  	_ =	shalt  }
0x61: {  	_ =	shalt  }
0x62: {  	_ =	shalt  }
0x63: {  	_ =	shalt  }
0x64: {  	_ =	shalt  }
0x65: {  	_ =	shalt  }
0x66: {  	_ =	shalt  }
0x67: {  	_ =	shalt  }
0x68: {  	_ =	shalt  }
0x69: {  	_ =	shalt  }
0x6a: {  	_ =	shalt  }
0x6b: {  	_ =	shalt  }
0x6c: {  	_ =	shalt  }
0x6d: {  	_ =	shalt  }
0x6e: {  	_ =	shalt  }
0x6f: {  	_ =	shalt  }
0x70: {  	_ =	shalt  }
0x71: {  	_ =	shalt  }
0x72: {  	_ =	shalt  }
0x73: {  	_ =	shalt  }
0x74: {  	_ =	shalt  }
0x75: {  	_ =	shalt  }
0x76: {  	_ =	shalt  }
0x77: {  	_ =	shalt  }
0x78: {  	_ =	shalt  }
0x79: {  	_ =	shalt  }
0x7a: {  	_ =	shalt  }
0x7b: {  	_ =	shalt  }
0x7c: {  	_ =	shalt  }
0x7d: {  	_ =	shalt  }
0x7e: {  	_ =	shalt  }
0x7f: {  	_ =	shalt  }
0x80: {  	_ =	shalt  }
0x81: {  	_ =	shalt  }
0x82: {  	_ =	shalt  }
0x83: {  	_ =	shalt  }
0x84: {  	_ =	shalt  }
0x85: {  	_ =	shalt  }
0x86: {  	_ =	shalt  }
0x87: {  	_ =	shalt  }
.Lfunc_end0:
.L_simem_size_0:
called_computation_lowered:
.L_overlay_start_0:
0x88: {  	s2 =	sld [smem:$0x3FD9]  }
0x89: {  	s3 =	sld [smem:$0x3FFE];
	_ =	sdelay $0x1  }
0x8a: {  	s1 =	srdreg.scid  }
0x8b: {  	s0 =	sand.u32 $0x1, s1  }
0x8c: {  	s16 =	sshll.u32 s0, $0xA;
	s2 =	sadd.s32 s3, s2  }
0x8d: {  	s2 =	sadd.s32 s2, s16  }
0x8e: {  	[smem:$0x3FC2] =	sst s2  }
0x8f: {  	_ = 	snop  }
0x90: {  	(tm) =	ssettm $0x1  }
0x91: {  	s17 =	sld [smem:$0x3FFB];
	_ =	sdelay $0x3  }
0x92: {  	_ =	strace s17  }
0x93: {  	s2 =	sld [smem:$0x3FFC];
	_ =	sdelay $0x3  }
0x94: {  	_ =	strace s2  }
0x95: {  	s2 =	sld [smem:$0x3FFD];
	_ =	sdelay $0x3  }
0x96: {  	_ =	strace s2  }
0x97: {  	_ =	strace $0x8FFFFFFF  }
0x98: {  	s18 =	sld [smem:$0x3FDB];
	_ =	sdelay $0x1  }
0x99: {  	s19 =	simm.s32 $_scs_section_size  }
0x9a: {  	s4 =	simm.s32 $_size__tile_overlayer_lowered;
	s5 =	simm.s32 $_tile_overlayer_lowered  }
0x9b: {  	s22 =	simm.s32 $0x1BFF;
	s21 =	sshll.u32 s5, $0x1;
	s2 =	sadd.s32 s19, s18  }
0x9c: {  	s6 =	simm.s32 $0x0;
	s20 =	sshll.u32 s4, $0x1;
	s4 =	sadd.s32 s21, s2  }
0x9d: {  	[timem:s6], [sflag:s22] =	dma.local [hbm:s4], s20  }
0x9e: {  	_ =	swait.ge [sflag:s22], s20  }
0x9f: {  	s3 =	ssub.s32 $0x0, s20;
	[sflag:s22] =	ssyncset.done $0x0  }
0xa0: {  	[sflag:s22] =	ssyncadd.s32 s3;
	_ =	sdelay $0x1  }
0xa1: {  	s23 =	simm.s32 $0x1B8B  }
0xa2: {  	_ =	swait.ge [sflag:s23], $0x1  }
0xa3: {  	[sflag:s23] =	ssyncset.done $0x0  }
0xa4: {  	s25 =	simm.s32 $0x1B8E;
	s24 =	sld [smem:$0x3FFE];
	[sflag:s23] =	ssyncadd.s32 $0xFFFFFFFF  }
0xa5: {  	s26 =	simm.s32 $execute0_lowered;
	[smem:$0x3FD2] =	sst s25  }
0xa6: {  	s4 =	sshll.u32 s26, $0x1;
	_ =	strace $0x80000046;
	[dreg:$0x1] =	wrdreg $0xFFFFFFFF  }
0xa7: {  	s28 =	simm.s32 $_size_execute0_lowered;
	s2 =	sadd.s32 s2, s4;
	[dreg:$0x0] =	wrdreg $0x0  }
0xa8: {  	s4 =	sshll.u32 s28, $0x1;
	[dreg:$0x2] =	wrdreg s2  }
0xa9: {  	[dreg:$0x3] =	wrdreg s4  }
0xaa: {  	[dreg:$0x4] =	wrdreg $0xC0  }
0xab: {  	_ =	task [dreg:s6], $0x5FFFF  }
0xac: {  	[dreg:$0x1] =	wrdreg $0xFFFFFFFF  }
0xad: {  	[dreg:$0x0] =	wrdreg $0x60  }
0xae: {  	[dreg:$0x2] =	wrdreg s24  }
0xaf: {  	[dreg:$0x3] =	wrdreg $0x51000  }
0xb0: {  	[dreg:$0x4] =	wrdreg $0x78100  }
0xb1: {  	[dreg:$0x5] =	wrdreg $0x9  }
0xb2: {  	_ =	task.clear_ibuf [dreg:s6], $0x6FFFF;
	_ =	strace $0x90000046  }
0xb3: {  	s29 =	simm.s32 $0x9;
	_ =	strace $0x80000048  }
0xb4: {  	_ =	swait.ge [sflag:s29], $0x1  }
0xb5: {  	[sflag:s29] =	ssyncadd.s32 $0xFFFFFFFF  }
0xb6: {  	_ =	strace $0x90000048  }
0xb7: {  	_ =	sfence  }
0xb8: {  	s30 =	sld [smem:$0x0];
	_ =	sdelay $0x2  }
0xb9: {  	s31 =	sshll.u32 s1, $0xD;
	s1 =	sshrl.u32 s1, $0x2  }
0xba: {  	s3 =	sand.u32 $0x4000, s31;
	s1 =	sadd.s32 s1, s30  }
0xbb: {  	s0 =	sor.u32 s3, s0;
	s1 =	sshll.u32 s1, $0x11  }
0xbc: {  	s0 =	sor.u32 s1, s0  }
0xbd: {  	s0 =	sadd.s32 $0x8F2B, s0  }
0xbe: {  	[sflag:s0] =	ssyncadd.remote.s32 $0x1  }
0xbf: {  	_ =	sfence.sel $0xFFFF  }
0xc0: {  	[dreg:$0x0] =	wrdreg $0xFFFFFFFF;
	(pc) =	sbr.abs _section_cstart, $3  }
0xc1: {  	[dreg:$0x1] =	wrdreg $0xFFFFFFFF  }
0xc2: {  	_ =	task.clear_ibuf [dreg:s6], $0x2FFFF;
	_ =	strace $0x9FFFFFFF  }
0xc3: {  	(tm) =	ssettm $0x7FFFFFFF  }
tec
execute0_lowered:
.L_overlay_start_1:
0x0: {  	(tag) =	ssettag $0x1  }
0x1: {  	s0 =	rddreg [dreg:$0x0]  }
0x2: {  	s1 =	srdreg.scid;
	s2 =	rddreg [dreg:$0x1]  }
0x3: {  	s9 =	stileid.u32;
	s3 =	rddreg [dreg:$0x2]  }
0x4: {  	s4 =	simm.s32 $0x0;
	s29 =	simm.s32 $0x2800;
	s6 =	smul.u32 $0x2710, s9  }
0x5: {  	s30 =	simm.s32 $0x2;
	s1 =	sand.u32 $0x1, s1;
	s8 =	smul.u32 $0x2800, s9  }
0x6: {  	s31 =	simm.s32 $0x1;
	[smem:$0x7FF] =	sst s4;
	s5 =	smul.u32 $0x27100, s1  }
0x7: {  	s12 =	sor.u32 $0x70, s9;
	s7 =	smul.u32 $0x138800, s1;
	s1 =	ssub.s32 $0x2, s1  }
0x8: {  	_ =	strace $0x80000047;
	p0 =	sgt.u32 s12, $0x7C;
	s16 =	sshrl.u32 s1, $0x1  }
0x9: {  	s17 =	sadd.s32 s8, s2;
	s18 =	sadd.s32 s8, s3;
	s19 =	sadd.s32 $0x28000, s8  }
0xa: {  	s20 =	sadd.s32 $0x50000, s8;
	s24 =	sadd.s32 $0x78000, s8;
	s25 =	sadd.s32 $0xA0000, s8  }
0xb: {  	s11 =	sadd.s32 $0xC8000, s8;
	s14 =	sadd.s32 $0xF0000, s8;
	[dreg:$0x5] =	wrdreg s17  }
0xc: {  	s5 =	sadd.s32 s6, s5;
	[dreg:$0x6] =	wrdreg s18;
	s21 =	sadd.s32 s19, s2  }
0xd: {  	s15 =	sadd.s32 s8, s7;
	s22 =	sadd.s32 s20, s2;
	[dreg:$0x7] =	wrdreg s21  }
0xe: {  	s1 =	ssub.s32 s1, s16;
	s23 =	sadd.s32 s20, s3;
	[dreg:$0x9] =	wrdreg s22  }
0xf: {  	s26 =	sadd.s32 s24, s2;
	s7 =	sadd.s32 s25, s2;
	[dreg:$0xa] =	wrdreg s23  }
0x10: {  	s10 =	sadd.s32 s25, s3;
	s13 =	sadd.s32 s11, s2;
	[dreg:$0xb] =	wrdreg s26  }
0x11: {  	s18 =	sadd.s32 s14, s2;
	s16 =	smul.u32 $0xA000, s9;
	[dreg:$0xd] =	wrdreg s7  }
0x12: {  	s5 =	sshrl.u32 s5, $0x3;
	s6 =	sshrl.u32 s15, $0x3;
	[dreg:$0xe] =	wrdreg s10  }
0x13: {  	s1 =	smax.u32 s1, $0x1;
	[dreg:$0xf] =	wrdreg s13;
	s15 =	smul.u32 $0x2800, s12  }
0x14: {  	s5 =	sadd.s32 s5, s0;
	s0 =	sadd.s32 s6, s0;
	[dreg:$0x4] =	wrdreg s1  }
0x15: {  	s1 =	sadd.s32 s19, s3;
	s19 =	sadd.s32 s14, s3;
	s17 =	sshrl.u32 s16, $0x2  }
0x16: {  	s6 =	simm.s32 $0x0;
	[dreg:$0x8] =	wrdreg s1;
	s1 =	sadd.s32 s24, s3  }
0x17: {  	s20 =	sadd.s32 s15, s2;
	s21 =	sadd.s32 s15, s3;
	s22 =	sadd.s32 $0x2E00, s5  }
0x18: {  	s23 =	sadd.s32 $0xCC00, s5;
	s24 =	sadd.s32 $0x64C00, s0;
	s25 =	sadd.s32 $0x16A00, s0  }
0x19: {  	s26 =	sadd.s32 s17, s3;
	s28 =	sadd.s32 s17, s2;
	s0 =	simm.s32 $0x5080  }
0x1a: {  	s5 =	simm.s32 $0x50;
	[dreg:$0xc] =	wrdreg s1;
	s1 =	sadd.s32 s11, s3  }
0x1b: {  	v0 =	vimm.f32 $1.000000000e+00;
	v1 =	vimm.f32 $0.0e+00;
	s17 =	stileid.u32;
	[dreg:$0x10] =	wrdreg s1;
	s1 =	simm.s32 $0x5000  }
.LBB2_1:
0x1c: {  	s7 =	simm.s32 $0x0  }
.LBB2_2:
0x1d: {  	p1 =	sne.s32 s7, $0x9E00  }
.Ltmp0:
0x1e: {  	_ = 	snop;
	(pc) =	sbr.rel @p1 .LBB2_2-.Ltmp0, $3  }
0x1f: {  	_ =	sdelay $0x1  }
0x20: {  	s8 =	sshra.s32 s7, $0x2  }
0x21: {  	s7 =	sadd.s32 $0x200, s7;
	[tilespmem:s8+$0x0] =	vst v0  }
0x22: {  	s7 =	simm.s32 $0x200;
	s8 =	simm.s32 $0x0  }
.LBB2_4:
0x23: {  	p1 =	sne.s32 s7, $0x9E00;
	[tilespmem:s8+$0x2800] =	vst v1;
	s8 =	smov.u32 s7;
	s7 =	sadd.s32 $0x200, s7  }
.Ltmp1:
0x24: {  	(pc) =	sbr.rel @p1 .LBB2_4-.Ltmp1, $2  }
0x25: {  	_ =	sdelay $0x2  }
0x26: {  	s8 =	sshra.s32 s8, $0x2  }
0x27: {  	[tilespmem:s8+$0x2800] =	vst v1;
	s7 =	rddreg [dreg:$0x5]  }
0x28: {  	[spmem:s7] =	stream.linear.scatter [tilespmem:s29], [sflag:$0x2], $0x2800, $0x38;
	[tilespmem:$0x9F20] =	vst v63  }
0x29: {  	_ =	swait.ge [sflag:s30], $0x2800  }
0x2a: {  	[sflag:s30] =	ssyncset.done $0x0  }
0x2b: {  	s13 =	rddreg [dreg:$0x6];
	[sflag:s30] =	ssyncadd.s32 $0xFFFFD800  }
0x2c: {  	[spmem:s13] =	stream.linear.scatter [tilespmem:s29], [sflag:$0x1], $0x2800, $0x38;
	[tilespmem:$0x9F20] =	vst v63  }
0x2d: {  	_ =	swait.ge [sflag:s31], $0x2800  }
0x2e: {  	[sflag:s31] =	ssyncset.done $0x0  }
0x2f: {  	s14 =	rddreg [dreg:$0x7];
	[sflag:s31] =	ssyncadd.s32 $0xFFFFD800  }
0x30: {  	[spmem:s14] =	stream.linear.scatter [tilespmem:s29], [sflag:$0x2], $0x2800, $0x38;
	[tilespmem:$0x9F20] =	vst v63  }
0x31: {  	_ =	swait.ge [sflag:s30], $0x2800  }
0x32: {  	[sflag:s30] =	ssyncset.done $0x0  }
0x33: {  	s15 =	rddreg [dreg:$0x8];
	[sflag:s30] =	ssyncadd.s32 $0xFFFFD800  }
0x34: {  	[spmem:s15] =	stream.linear.scatter [tilespmem:s29], [sflag:$0x1], $0x2800, $0x38;
	[tilespmem:$0x9F20] =	vst v63  }
0x35: {  	_ =	swait.ge [sflag:s31], $0x2800  }
0x36: {  	[sflag:s31] =	ssyncset.done $0x0  }
0x37: {  	s16 =	rddreg [dreg:$0x9];
	[sflag:s31] =	ssyncadd.s32 $0xFFFFD800  }
0x38: {  	[spmem:s16] =	stream.linear.scatter [tilespmem:s29], [sflag:$0x2], $0x2800, $0x38;
	[tilespmem:$0x9F20] =	vst v63  }
0x39: {  	_ =	swait.ge [sflag:s30], $0x2800  }
0x3a: {  	[sflag:s30] =	ssyncset.done $0x0  }
0x3b: {  	s8 =	rddreg [dreg:$0xa];
	[sflag:s30] =	ssyncadd.s32 $0xFFFFD800  }
0x3c: {  	[spmem:s8] =	stream.linear.scatter [tilespmem:s29], [sflag:$0x1], $0x2800, $0x38;
	[tilespmem:$0x9F20] =	vst v63  }
0x3d: {  	_ =	swait.ge [sflag:s31], $0x2800  }
0x3e: {  	[sflag:s31] =	ssyncset.done $0x0  }
0x3f: {  	s9 =	rddreg [dreg:$0xb];
	[sflag:s31] =	ssyncadd.s32 $0xFFFFD800  }
0x40: {  	[spmem:s9] =	stream.linear.scatter [tilespmem:s29], [sflag:$0x2], $0x2800, $0x38;
	[tilespmem:$0x9F20] =	vst v63  }
0x41: {  	_ =	swait.ge [sflag:s30], $0x2800  }
0x42: {  	[sflag:s30] =	ssyncset.done $0x0  }
0x43: {  	s10 =	rddreg [dreg:$0xc];
	[sflag:s30] =	ssyncadd.s32 $0xFFFFD800  }
0x44: {  	[spmem:s10] =	stream.linear.scatter [tilespmem:s29], [sflag:$0x1], $0x2800, $0x38;
	[tilespmem:$0x9F20] =	vst v63  }
0x45: {  	_ =	swait.ge [sflag:s31], $0x2800  }
0x46: {  	[sflag:s31] =	ssyncset.done $0x0  }
0x47: {  	s11 =	rddreg [dreg:$0xd];
	[sflag:s31] =	ssyncadd.s32 $0xFFFFD800  }
0x48: {  	[spmem:s11] =	stream.linear.scatter [tilespmem:s29], [sflag:$0x2], $0x2800, $0x38;
	[tilespmem:$0x9F20] =	vst v63  }
0x49: {  	_ =	swait.ge [sflag:s30], $0x2800  }
0x4a: {  	[sflag:s30] =	ssyncset.done $0x0  }
0x4b: {  	s12 =	rddreg [dreg:$0xe];
	[sflag:s30] =	ssyncadd.s32 $0xFFFFD800  }
0x4c: {  	[spmem:s12] =	stream.linear.scatter [tilespmem:s29], [sflag:$0x1], $0x2800, $0x38;
	[tilespmem:$0x9F20] =	vst v63  }
0x4d: {  	_ =	swait.ge [sflag:s31], $0x2800  }
0x4e: {  	[sflag:s31] =	ssyncset.done $0x0  }
0x4f: {  	s13 =	rddreg [dreg:$0xf];
	[sflag:s31] =	ssyncadd.s32 $0xFFFFD800  }
0x50: {  	[spmem:s13] =	stream.linear.scatter [tilespmem:s29], [sflag:$0x2], $0x2800, $0x38;
	[tilespmem:$0x9F20] =	vst v63  }
0x51: {  	_ =	swait.ge [sflag:s30], $0x2800  }
0x52: {  	[sflag:s30] =	ssyncset.done $0x0  }
0x53: {  	s14 =	rddreg [dreg:$0x10];
	[sflag:s30] =	ssyncadd.s32 $0xFFFFD800  }
0x54: {  	[spmem:s14] =	stream.linear.scatter [tilespmem:s29], [sflag:$0x1], $0x2800, $0x38;
	[tilespmem:$0x9F20] =	vst v63  }
0x55: {  	_ =	swait.ge [sflag:s31], $0x2800  }
0x56: {  	[sflag:s31] =	ssyncset.done $0x0  }
0x57: {  	[sflag:s31] =	ssyncadd.s32 $0xFFFFD800  }
0x58: {  	[spmem:s18] =	stream.linear.scatter [tilespmem:s29], [sflag:$0x2], $0x2800, $0x38;
	[tilespmem:$0x9F20] =	vst v63  }
0x59: {  	_ =	swait.ge [sflag:s30], $0x2800  }
0x5a: {  	[sflag:s30] =	ssyncset.done $0x0  }
0x5b: {  	[sflag:s30] =	ssyncadd.s32 $0xFFFFD800  }
0x5c: {  	[spmem:s19] =	stream.linear.scatter [tilespmem:s29], [sflag:$0x1], $0x2800, $0x38;
	[tilespmem:$0x9F20] =	vst v63  }
0x5d: {  	_ =	swait.ge [sflag:s31], $0x2800  }
0x5e: {  	[sflag:s31] =	ssyncset.done $0x0  }
0x5f: {  	s7 =	simm.s32 @!p0 $0x2800;
	s8 =	simm.s32 @!p0 $0x2;
	[sflag:s31] =	ssyncadd.s32 $0xFFFFD800  }
0x60: {  	[spmem:s20] =	stream.linear.scatter @!p0 [tilespmem:s7], [sflag:$0x2], $0x2800, $0x38;
	[tilespmem:$0x9F20] =	vst v63  }
0x61: {  	_ =	swait.ge @!p0 [sflag:s8], $0x2800  }
0x62: {  	[sflag:s8] =	ssyncset.done @!p0 $0x0  }
0x63: {  	[sflag:s8] =	ssyncadd.s32 @!p0 $0xFFFFD800  }
0x64: {  	[spmem:s21] =	stream.linear.scatter @!p0 [tilespmem:s7], [sflag:$0x1], $0x2800, $0x38;
	[tilespmem:$0x9F20] =	vst v63  }
0x65: {  	s7 =	simm.s32 @!p0 $0x1  }
0x66: {  	_ =	swait.ge @!p0 [sflag:s7], $0x2800  }
0x67: {  	[sflag:s7] =	ssyncset.done @!p0 $0x0  }
0x68: {  	[sflag:s7] =	ssyncadd.s32 @!p0 $0xFFFFD800  }
0x69: {  	s15 =	sadd.s32 $0x0, s23;
	[bflag:$0x0] =	sbarrier.arrive $0xFFFF  }
0x6a: {  	[tilespmem:s1], [sflag:$0x1] =	stream.linear.gather [hbm4b:s15+s4], $0x50, $0x38;
	[tilespmem:$0x9F20] =	vst v63  }
0x6b: {  	_ =	swait.ge [sflag:s31], $0x50  }
0x6c: {  	[sflag:s31] =	ssyncset.done $0x0  }
0x6d: {  	s16 =	sadd.s32 $0x0, s22;
	[sflag:s31] =	ssyncadd.s32 $0xFFFFFFB0  }
0x6e: {  	[tilespmem:s0], [sflag:$0x1] =	stream.linear.gather [hbm4b:s16+s4], $0x50, $0x38;
	[tilespmem:$0x9F20] =	vst v63  }
0x6f: {  	_ =	swait.ge [sflag:s31], $0x50  }
0x70: {  	[sflag:s31] =	ssyncset.done $0x0  }
0x71: {  	[sflag:s31] =	ssyncadd.s32 $0xFFFFFFB0  }
0x72: {  	[spmem:s2] =	stream.indirect.scatter.add.f32 [tilespmem:s4], [sflag:$0x1], $0x10, s1, s5, $0xb8;
	[tilespmem:$0x9F20] =	vst v63  }
0x73: {  	_ =	swait.ge [sflag:s31], $0x500  }
0x74: {  	[sflag:s31] =	ssyncset.done $0x0  }
0x75: {  	[sflag:s31] =	ssyncadd.s32 $0xFFFFFB00  }
0x76: {  	[spmem:s3] =	stream.indirect.scatter.add.f32 [tilespmem:s4], [sflag:$0x1], $0x10, s0, s5, $0xb8;
	[tilespmem:$0x9F20] =	vst v63  }
0x77: {  	_ =	swait.ge [sflag:s31], $0x500  }
0x78: {  	s8 =	simm.s32 $0x14;
	s7 =	simm.s32 $0xA;
	[sflag:s31] =	ssyncset.done $0x0  }
.LBB2_6:
0x79: {  	s9 =	sadd.s32 s7, s23  }
0x7a: {  	[sflag:s31] =	ssyncadd.s32 $0xFFFFFB00;
	s10 =	smov.u32 s8;
	s11 =	sadd.s32 $0xA, s8  }
0x7b: {  	[tilespmem:s1], [sflag:$0x1] =	stream.linear.gather [hbm4b:s9+s4], $0x50, $0x38;
	[tilespmem:$0x9F20] =	vst v63  }
0x7c: {  	p1 =	sne.s32 s8, $0x4D8;
	_ =	swait.ge [sflag:s31], $0x50  }
0x7d: {  	[sflag:s31] =	ssyncset.done $0x0  }
0x7e: {  	s8 =	sadd.s32 s7, s22;
	s7 =	smov.u32 s10;
	[sflag:s31] =	ssyncadd.s32 $0xFFFFFFB0  }
0x7f: {  	[tilespmem:s0], [sflag:$0x1] =	stream.linear.gather [hbm4b:s8+s4], $0x50, $0x38;
	[tilespmem:$0x9F20] =	vst v63  }
0x80: {  	_ =	swait.ge [sflag:s31], $0x50  }
0x81: {  	[sflag:s31] =	ssyncset.done $0x0  }
0x82: {  	[sflag:s31] =	ssyncadd.s32 $0xFFFFFFB0  }
0x83: {  	[spmem:s2] =	stream.indirect.scatter.add.f32 [tilespmem:s4], [sflag:$0x1], $0x10, s1, s5, $0xb8;
	[tilespmem:$0x9F20] =	vst v63  }
0x84: {  	_ =	swait.ge [sflag:s31], $0x500  }
.Ltmp2:
0x85: {  	[sflag:s31] =	ssyncset.done $0x0;
	(pc) =	sbr.rel @p1 .LBB2_6-.Ltmp2, $4  }
0x86: {  	[sflag:s31] =	ssyncadd.s32 $0xFFFFFB00  }
0x87: {  	[spmem:s3] =	stream.indirect.scatter.add.f32 [tilespmem:s4], [sflag:$0x1], $0x10, s0, s5, $0xb8;
	[tilespmem:$0x9F20] =	vst v63  }
0x88: {  	_ =	swait.ge [sflag:s31], $0x500  }
0x89: {  	s8 =	smov.u32 s11;
	[sflag:s31] =	ssyncset.done $0x0  }
0x8a: {  	s8 =	sadd.s32 s7, s23;
	[sflag:s31] =	ssyncadd.s32 $0xFFFFFB00  }
0x8b: {  	[tilespmem:s1], [sflag:$0x1] =	stream.linear.gather [hbm4b:s8+s4], $0x50, $0x38;
	[tilespmem:$0x9F20] =	vst v63  }
0x8c: {  	_ =	swait.ge [sflag:s31], $0x50  }
0x8d: {  	[sflag:s31] =	ssyncset.done $0x0  }
0x8e: {  	s16 =	sadd.s32 s7, s22;
	[sflag:s31] =	ssyncadd.s32 $0xFFFFFFB0  }
0x8f: {  	[tilespmem:s0], [sflag:$0x1] =	stream.linear.gather [hbm4b:s16+s4], $0x50, $0x38;
	[tilespmem:$0x9F20] =	vst v63  }
0x90: {  	_ =	swait.ge [sflag:s31], $0x50  }
0x91: {  	[sflag:s31] =	ssyncset.done $0x0  }
0x92: {  	[sflag:s31] =	ssyncadd.s32 $0xFFFFFFB0  }
0x93: {  	[spmem:s2] =	stream.indirect.scatter.add.f32 [tilespmem:s4], [sflag:$0x1], $0x10, s1, s5, $0xb8;
	[tilespmem:$0x9F20] =	vst v63  }
0x94: {  	_ =	swait.ge [sflag:s31], $0x500  }
0x95: {  	[sflag:s31] =	ssyncset.done $0x0  }
0x96: {  	[sflag:s31] =	ssyncadd.s32 $0xFFFFFB00  }
0x97: {  	[spmem:s3] =	stream.indirect.scatter.add.f32 [tilespmem:s4], [sflag:$0x1], $0x10, s0, s5, $0xb8;
	[tilespmem:$0x9F20] =	vst v63  }
0x98: {  	s13 =	stileid.u32;
	_ =	swait.ge [sflag:s31], $0x500  }
0x99: {  	p1 =	sgt.u32 s13, $0x7C;
	[sflag:s31] =	ssyncset.done $0x0  }
0x9a: {  	s8 =	simm.s32 @!p1 $0x2800;
	[sflag:s31] =	ssyncadd.s32 $0xFFFFFB00  }
0x9b: {  	s10 =	simm.s32 @!p1 $0x2;
	p1 =	por p1, p1;
	[bflag:$0x0] =	sbarrier.arrive $0xFFFF  }
0x9c: {  	[tilespmem:s8], [sflag:$0x2] =	stream.linear.gather @!p1 [spmem:s28], $0x2800, $0x38;
	[tilespmem:$0x9F20] =	vst v63  }
0x9d: {  	_ =	swait.ge @!p1 [sflag:s10], $0x2800  }
0x9e: {  	[sflag:s10] =	ssyncset.done @!p1 $0x0  }
0x9f: {  	s7 =	sadd.s32 @!p1 $0x0, s25;
	s11 =	simm.s32 @!p1 $0x0;
	[sflag:s10] =	ssyncadd.s32 @!p1 $0xFFFFD800  }
0xa0: {  	[hbm4b:s7+s11] =	stream.linear.scatter @!p1 [tilespmem:s8], [sflag:$0x2], $0x2800, $0x38;
	[tilespmem:$0x9F20] =	vst v63  }
0xa1: {  	_ =	swait.ge @!p1 [sflag:s10], $0x2800  }
0xa2: {  	[sflag:s10] =	ssyncset.done @!p1 $0x0  }
0xa3: {  	[sflag:s10] =	ssyncadd.s32 @!p1 $0xFFFFD800  }
0xa4: {  	[tilespmem:s8], [sflag:$0x2] =	stream.linear.gather @!p1 [spmem:s26], $0x2800, $0x38;
	[tilespmem:$0x9F20] =	vst v63  }
0xa5: {  	_ =	swait.ge @!p1 [sflag:s10], $0x2800  }
0xa6: {  	s9 =	simm.s32 $0xA000;
	s12 =	simm.s32 @!p1 $0x1;
	[sflag:s10] =	ssyncset.done @!p1 $0x0  }
0xa7: {  	s7 =	simm.s32 $0x5000;
	[sflag:s10] =	ssyncadd.s32 @!p1 $0xFFFFD800;
	s10 =	sadd.s32 @!p1 $0x0, s24  }
0xa8: {  	[hbm4b:s10+s11] =	stream.linear.scatter @!p1 [tilespmem:s8], [sflag:$0x1], $0x2800, $0x38;
	[tilespmem:$0x9F20] =	vst v63  }
0xa9: {  	s10 =	sadd.s32 $0x28000, s28;
	s11 =	sadd.s32 $0x10, s13;
	_ =	swait.ge @!p1 [sflag:s12], $0x2800  }
0xaa: {  	s8 =	sadd.s32 $0x28000, s26;
	p3 =	sgt.u32 s11, $0x7C;
	[sflag:s12] =	ssyncset.done @!p1 $0x0  }
.LBB2_8:
0xab: {  	s13 =	simm.s32 @!p3 $0x2800;
	s14 =	simm.s32 @!p3 $0x2;
	[sflag:s12] =	ssyncadd.s32 @!p1 $0xFFFFD800  }
0xac: {  	s12 =	smov.u32 s7;
	s7 =	smov.u32 s9;
	p1 =	por p3, p3  }
0xad: {  	[tilespmem:s13], [sflag:$0x2] =	stream.linear.gather @!p1 [spmem:s10], $0x2800, $0x38;
	[tilespmem:$0x9F20] =	vst v63  }
0xae: {  	s9 =	sadd.s32 $0x5000, s9;
	_ =	swait.ge @!p1 [sflag:s14], $0x2800  }
0xaf: {  	p2 =	sne.s32 s9, $0x28000;
	[sflag:s14] =	ssyncset.done @!p1 $0x0  }
0xb0: {  	s15 =	sadd.s32 @!p1 s12, s25;
	s16 =	simm.s32 @!p1 $0x0;
	[sflag:s14] =	ssyncadd.s32 @!p1 $0xFFFFD800  }
0xb1: {  	[hbm4b:s15+s16] =	stream.linear.scatter @!p1 [tilespmem:s13], [sflag:$0x2], $0x2800, $0x38;
	[tilespmem:$0x9F20] =	vst v63  }
0xb2: {  	_ =	swait.ge @!p1 [sflag:s14], $0x2800  }
0xb3: {  	[sflag:s14] =	ssyncset.done @!p1 $0x0  }
0xb4: {  	[sflag:s14] =	ssyncadd.s32 @!p1 $0xFFFFD800  }
0xb5: {  	[tilespmem:s13], [sflag:$0x2] =	stream.linear.gather @!p1 [spmem:s8], $0x2800, $0x38;
	[tilespmem:$0x9F20] =	vst v63  }
0xb6: {  	_ =	swait.ge @!p1 [sflag:s14], $0x2800  }
.Ltmp3:
0xb7: {  	[sflag:s14] =	ssyncset.done @!p1 $0x0;
	(pc) =	sbr.rel @p2 .LBB2_8-.Ltmp3, $4  }
0xb8: {  	[sflag:s14] =	ssyncadd.s32 @!p1 $0xFFFFD800;
	s14 =	sadd.s32 @!p1 s12, s24;
	s12 =	simm.s32 @!p1 $0x1  }
0xb9: {  	[hbm4b:s14+s16] =	stream.linear.scatter @!p1 [tilespmem:s13], [sflag:$0x1], $0x2800, $0x38;
	[tilespmem:$0x9F20] =	vst v63  }
0xba: {  	s11 =	sadd.s32 $0x10, s11;
	s10 =	sadd.s32 $0x28000, s10;
	_ =	swait.ge @!p1 [sflag:s12], $0x2800  }
0xbb: {  	p3 =	sgt.u32 s11, $0x7C;
	s8 =	sadd.s32 $0x28000, s8;
	[sflag:s12] =	ssyncset.done @!p1 $0x0  }
0xbc: {  	s9 =	simm.s32 @!p3 $0x2800  }
0xbd: {  	s11 =	simm.s32 @!p3 $0x2;
	[sflag:s12] =	ssyncadd.s32 @!p1 $0xFFFFD800;
	p1 =	por p3, p3  }
0xbe: {  	[tilespmem:s9], [sflag:$0x2] =	stream.linear.gather @!p1 [spmem:s10], $0x2800, $0x38;
	[tilespmem:$0x9F20] =	vst v63  }
0xbf: {  	_ =	swait.ge @!p1 [sflag:s11], $0x2800  }
0xc0: {  	[sflag:s11] =	ssyncset.done @!p1 $0x0  }
0xc1: {  	s10 =	sadd.s32 @!p1 s7, s25;
	s12 =	simm.s32 @!p1 $0x0;
	[sflag:s11] =	ssyncadd.s32 @!p1 $0xFFFFD800  }
0xc2: {  	[hbm4b:s10+s12] =	stream.linear.scatter @!p1 [tilespmem:s9], [sflag:$0x2], $0x2800, $0x38;
	[tilespmem:$0x9F20] =	vst v63  }
0xc3: {  	_ =	swait.ge @!p1 [sflag:s11], $0x2800  }
0xc4: {  	[sflag:s11] =	ssyncset.done @!p1 $0x0  }
0xc5: {  	[sflag:s11] =	ssyncadd.s32 @!p1 $0xFFFFD800  }
0xc6: {  	[tilespmem:s9], [sflag:$0x2] =	stream.linear.gather @!p1 [spmem:s8], $0x2800, $0x38;
	[tilespmem:$0x9F20] =	vst v63  }
0xc7: {  	_ =	swait.ge @!p1 [sflag:s11], $0x2800  }
0xc8: {  	[sflag:s11] =	ssyncset.done @!p1 $0x0  }
0xc9: {  	s7 =	sadd.s32 @!p1 s7, s24;
	s8 =	simm.s32 @!p1 $0x1;
	[sflag:s11] =	ssyncadd.s32 @!p1 $0xFFFFD800  }
0xca: {  	[hbm4b:s7+s12] =	stream.linear.scatter @!p1 [tilespmem:s9], [sflag:$0x1], $0x2800, $0x38;
	[tilespmem:$0x9F20] =	vst v63  }
0xcb: {  	_ =	swait.ge @!p1 [sflag:s8], $0x2800  }
0xcc: {  	s6 =	sadd.s32 $0x1, s6;
	s16 =	rddreg [dreg:$0x4]  }
0xcd: {  	p2 =	sne.s32 s6, s16  }
.Ltmp4:
0xce: {  	_ = 	snop;
	(pc) =	sbr.rel @p2 .LBB2_1-.Ltmp4, $3  }
0xcf: {  	_ =	sdelay $0x1  }
0xd0: {  	[sflag:s8] =	ssyncset.done @!p1 $0x0  }
0xd1: {  	[sflag:s8] =	ssyncadd.s32 @!p1 $0xFFFFD800  }
0xd2: {  	_ =	sfence.sel $0x180000  }
0xd3: {  	[bflag:$0x0] =	sbarrier.arrive $0xFFFF  }
0xd4: {  	_ =	strace $0x90000047  }
0xd5: {  	[bflag:$0x2] =	sbarrier.arrive $0xFFFF  }
0xd6: {  	p0 =	sne.s32 s17, $0x0;
	s0 =	rddreg [dreg:$0x3]  }
0xd7: {  	s0 =	sadd.s32 @!p0 $0x100000, s0  }
0xd8: {  	[sflag:s0] =	ssyncadd.tile.s32 @!p0 $0x1;
	_ =	shalt  }
.Lfunc_end2:
_tile_overlayer_lowered:
.L_overlay_start_2:
0xd9: {  	(tag) =	ssettag $0x2  }
0xda: {  	s0 =	rddreg [dreg:$0x0];
	s2 =	stileid.u32  }
0xdb: {  	s1 =	rddreg [dreg:$0x1];
	p0 =	sne.s32 s2, $0x0  }
0xdc: {  	s3 =	rddreg [dreg:$0x2];
	[bflag:$0x3] =	sbarrier.arrive $0xFFFF;
	s2 =	simm.s32 @!p0 $0x1C01  }
0xdd: {  	[timem:s3], [sflag:s2] =	dma.local @!p0 [hbm:s0], s1  }
0xde: {  	s0 =	simm.s32 @!p0 $0x1  }
0xdf: {  	_ =	swait.ge @!p0 [sflag:s0], s1  }
0xe0: {  	s1 =	ssub.s32 @!p0 $0x0, s1;
	[sflag:s0] =	ssyncset.done @!p0 $0x0  }
0xe1: {  	[sflag:s0] =	ssyncadd.s32 @!p0 s1  }
0xe2: {  	[bflag:$0x3] =	sbarrier.arrive $0xFFFF  }
0xe3: {  	_ =	shalt  }

</sc_bundles>
